<compile_context>
chip_gen: v7x
topology: tpu7x:2x2x1
jax: 0.10.2.dev20260603
libtpu: 0.0.44.dev20260713+nightly
codegen_flags: <defaults>
</compile_context>

<pallas_src>
import functools

import jax
import jax.numpy as jnp
from jax import lax
from jax.experimental import pallas as pl
from jax.experimental.pallas import tpu as pltpu
from jax.experimental.pallas import tpu_sc as plsc

K = 1024
D = 32
BLOCK = 4096


def _vq_argmin_kernel(xt_ref, emb_ref, e2_ref, x2_ref, c_ref, l_ref, pad_ref):
    xt = xt_ref[...].T
    e = emb_ref[...]
    e2c = e2_ref[...]
    x2r = x2_ref[...].reshape(1, BLOCK)
    xe2 = lax.dot_general(e, xt * -2.0, (((1,), (0,)), ((), ())),
                          preferred_element_type=jnp.float32)
    d = (x2r + e2c) + xe2
    m = jnp.min(d, axis=0, keepdims=True)
    iota = lax.broadcasted_iota(jnp.int32, (K, BLOCK), 0)
    c = jnp.min(jnp.where(d <= m, iota, K), axis=0).astype(jnp.int32)
    c_ref[...] = c.reshape(1, 1, BLOCK)
    l_ref[...] = (m * (0.2 / D)).reshape(1, 1, BLOCK)

    @pl.when(pl.program_id(0) == 0)
    def _():
        pad_ref[...] = jnp.pad(e, ((0, 0), (0, 128 - D)))


def _argmin_stage(flat, emb):
    n = flat.shape[0]
    nb = n // BLOCK
    e2 = jnp.sum(emb ** 2, axis=-1)[:, None]
    x2 = jnp.sum(flat ** 2, axis=-1).reshape(nb, 1, BLOCK)
    c, l, table = pl.pallas_call(
        _vq_argmin_kernel,
        grid=(nb,),
        in_specs=[
            pl.BlockSpec((BLOCK, D), lambda i: (i, 0)),
            pl.BlockSpec((K, D), lambda i: (0, 0)),
            pl.BlockSpec((K, 1), lambda i: (0, 0)),
            pl.BlockSpec((1, 1, BLOCK), lambda i: (i, 0, 0)),
        ],
        out_specs=[
            pl.BlockSpec((1, 1, BLOCK), lambda i: (i, 0, 0)),
            pl.BlockSpec((1, 1, BLOCK), lambda i: (i, 0, 0)),
            pl.BlockSpec((K, 128), lambda i: (0, 0)),
        ],
        out_shape=[
            jax.ShapeDtypeStruct((nb, 1, BLOCK), jnp.int32),
            jax.ShapeDtypeStruct((nb, 1, BLOCK), jnp.float32),
            jax.ShapeDtypeStruct((K, 128), jnp.float32),
        ],
        compiler_params=pltpu.CompilerParams(
            dimension_semantics=("arbitrary",),
        ),
    )(flat, emb, e2, x2)
    return c.reshape(n), l.reshape(n), table


CHUNK = 128


def _make_gather(n):
    info = plsc.get_sparse_core_info()
    nw = info.num_cores * info.num_subcores
    b_per_w = n // nw
    n_chunks = b_per_w // CHUNK
    mesh = plsc.VectorSubcoreMesh(core_axis_name="c", subcore_axis_name="s")

    @functools.partial(
        pl.kernel, mesh=mesh,
        out_type=jax.ShapeDtypeStruct((n, 128), jnp.float32),
        scratch_types=[
            pltpu.VMEM((n_chunks, CHUNK), jnp.int32),
            pltpu.VMEM((CHUNK, 128), jnp.float32),
            pltpu.VMEM((CHUNK, 128), jnp.float32),
            pltpu.SemaphoreType.DMA,
            pltpu.SemaphoreType.DMA,
            pltpu.SemaphoreType.DMA,
        ],
    )
    def gather(table_hbm, idx_hbm, out_hbm, idx_v, rows_a, rows_b, sem_g, sem_a, sem_b):
        wid = lax.axis_index("s") * info.num_cores + lax.axis_index("c")
        row0 = wid * n_chunks
        pltpu.sync_copy(idx_hbm.at[pl.ds(row0, n_chunks)], idx_v)
        bufs = (rows_a, rows_b)
        sems = (sem_a, sem_b)
        for j in range(n_chunks):
            buf, sem = bufs[j % 2], sems[j % 2]
            if j >= 2:
                pltpu.make_async_copy(
                    buf,
                    out_hbm.at[pl.ds((row0 + j - 2) * CHUNK, CHUNK)],
                    sem).wait()
            pltpu.async_copy(table_hbm.at[idx_v.at[j]], buf, sem_g).wait()
            pltpu.async_copy(buf,
                             out_hbm.at[pl.ds((row0 + j) * CHUNK, CHUNK)],
                             sem)
        for j in range(n_chunks - 2, n_chunks):
            pltpu.make_async_copy(
                bufs[j % 2],
                out_hbm.at[pl.ds((row0 + j) * CHUNK, CHUNK)],
                sems[j % 2]).wait()

    return gather


def kernel(h, emb):
    flat = h.reshape(-1, D)
    n = flat.shape[0]
    c, l, table = _argmin_stage(flat, emb)
    q = _make_gather(n)(table, c.reshape(n // CHUNK, CHUNK))[:, :D]
    return q.reshape(h.shape), c.reshape(n, 1), l

# --- scband reference (transcript-rebuilt; emitter-appended) ---
"""Pipeline reference for scband-quantizer-6150393168136 (READ-ONLY COPY).

The authoritative reference and input builder live on the scoring server;
editing this copy changes nothing except your own understanding.
"""

import jax, jax.numpy as jnp
import numpy as np

K = 1024
D = 32
COMMIT = 0.1
QUANT = 0.1


def setup_inputs(seed: int = 0) -> dict:
    key = jax.random.key(seed)
    k1, k2 = jax.random.split(key)
    h = jax.random.normal(k1, (64, 1024, D), dtype=jnp.float32)
    emb = jax.random.uniform(k2, (K, D), minval=-1.0 / K, maxval=1.0 / K, dtype=jnp.float32)
    return {"h": h, "emb": emb}


def reference(h, emb):
    flat = h.reshape(-1, D)
    distances = (flat ** 2).sum(axis=-1, keepdims=True) + (emb ** 2).sum(axis=-1) - 2.0 * (flat @ emb.T)
    closest = jnp.argmin(distances, axis=-1)[:, None]
    one_hot = jax.nn.one_hot(closest[:, 0], K, dtype=jnp.float32)
    quantized = (one_hot @ emb).reshape(h.shape)
    q_flat = quantized.reshape(-1, D)
    commitment_loss = ((jax.lax.stop_gradient(q_flat) - flat) ** 2).mean(axis=-1)
    embedding_loss = ((q_flat - jax.lax.stop_gradient(flat)) ** 2).mean(axis=-1)
    quantized_st = h + jax.lax.stop_gradient(quantized - h)
    loss = commitment_loss * COMMIT + embedding_loss * QUANT
    return quantized_st, closest, loss

if __name__ == "__main__":
    import jax
    _d = setup_inputs()
    print(jax.jit(kernel)(*tuple(_d.values())))

</pallas_src>

<mosaic_0001>
#map = affine_map<(d0, d1) -> (0, 0)>
module attributes {stable_mosaic.version = 14 : i64} {
  func.func @gather(%arg0: i32, %arg1: i32, %arg2: memref<1024x128xf32, #tpu.memory_space<hbm>>, %arg3: memref<512x128xi32, #tpu.memory_space<hbm>>, %arg4: memref<65536x128xf32, #tpu.memory_space<hbm>>, %arg5: memref<16x128xi32, #tpu.memory_space<vmem>>, %arg6: memref<128x128xf32, #tpu.memory_space<vmem>>, %arg7: memref<128x128xf32, #tpu.memory_space<vmem>>, %arg8: memref<!tpu.dma_semaphore, #tpu.memory_space<semaphore_mem>>, %arg9: memref<!tpu.dma_semaphore, #tpu.memory_space<semaphore_mem>>, %arg10: memref<!tpu.dma_semaphore, #tpu.memory_space<semaphore_mem>>) attributes {dimension_semantics = [#tpu.dimension_semantics<core_parallel>, #tpu.dimension_semantics<subcore_parallel>], iteration_bounds = array<i64: 2, 16>, scalar_prefetch = 0 : i64, scratch_operands = 6 : i64, tpu.core_type = #tpu.core_type<sc_vector_subcore>, window_params = [{transform_indices = #map}, {transform_indices = #map}, {transform_indices = #map}]} {
    %mul3A = arith.constant 2 : i32
    %mul3A_0 = arith.muli %arg1, %mul3A : i32
    %add3A = arith.addi %mul3A_0, %arg0 : i32
    %mul3A_1 = arith.constant 16 : i32
    %mul3A_2 = arith.muli %add3A, %mul3A_1 : i32
    "tpu.region"() ({
      %run_scoped3A = tpu.sem_alloc : memref<!tpu.dma_semaphore, #tpu.memory_space<semaphore_mem>>
      %dma_start3A_508 = arith.constant 0 : i32
      %dma_start3A_509 = tpu.memref_slice %arg3[%mul3A_2, %dma_start3A_508] : memref<512x128xi32, #tpu.memory_space<hbm>> -> memref<16x128xi32, #tpu.memory_space<hbm>>
      %dma_start3A_510 = arith.constant 0 : i32
      %dma_start3A_511 = tpu.memref_slice %arg3[%mul3A_2, %dma_start3A_510] : memref<512x128xi32, #tpu.memory_space<hbm>> -> memref<16x128xi32, #tpu.memory_space<hbm>>
      tpu.enqueue_dma source(%dma_start3A_511 : memref<16x128xi32, #tpu.memory_space<hbm>>) target(%arg5 : memref<16x128xi32, #tpu.memory_space<vmem>>) target_semaphore(%run_scoped3A : memref<!tpu.dma_semaphore, #tpu.memory_space<semaphore_mem>>)
      %dma_wait3A_512 = arith.constant 0 : i32
      %dma_wait3A_513 = tpu.memref_slice %arg3[%mul3A_2, %dma_wait3A_512] : memref<512x128xi32, #tpu.memory_space<hbm>> -> memref<16x128xi32, #tpu.memory_space<hbm>>
      %dma_wait3A_514 = arith.constant 0 : i32
      %dma_wait3A_515 = tpu.memref_slice %arg3[%mul3A_2, %dma_wait3A_514] : memref<512x128xi32, #tpu.memory_space<hbm>> -> memref<16x128xi32, #tpu.memory_space<hbm>>
      tpu.wait_dma2 semaphore(%run_scoped3A : memref<!tpu.dma_semaphore, #tpu.memory_space<semaphore_mem>>) src(%dma_wait3A_515 : memref<16x128xi32, #tpu.memory_space<hbm>>) dst(%arg5 : memref<16x128xi32, #tpu.memory_space<vmem>>)
      tpu.yield
    }) : () -> ()
    %dma_start3A = arith.constant 0 : i32
    %dma_start3A_3 = arith.constant 0 : i32
    %dma_start3A_4 = tpu.memref_slice %arg5[%dma_start3A, %dma_start3A_3] : memref<16x128xi32, #tpu.memory_space<vmem>> -> memref<1x128xi32, #tpu.memory_space<vmem>>
    %dma_start3A_5 = tpu.memref_squeeze %dma_start3A_4 : memref<1x128xi32, #tpu.memory_space<vmem>> -> memref<128xi32, #tpu.memory_space<vmem>>
    %dma_start3A_6 = arith.constant 0 : i32
    %dma_start3A_7 = arith.constant 0 : i32
    %dma_start3A_8 = tpu.memref_slice %arg2[%dma_start3A_6, %dma_start3A_7] : memref<1024x128xf32, #tpu.memory_space<hbm>> -> memref<1024x128xf32, #tpu.memory_space<hbm>>
    tpu.enqueue_indirect_dma source(%dma_start3A_8 : memref<1024x128xf32, #tpu.memory_space<hbm>>) target(%arg6 : memref<128x128xf32, #tpu.memory_space<vmem>>) offsets(%dma_start3A_5 : memref<128xi32, #tpu.memory_space<vmem>>) semaphore(%arg8 : memref<!tpu.dma_semaphore, #tpu.memory_space<semaphore_mem>>)
    %dma_wait3A = arith.constant 0 : i32
    %dma_wait3A_9 = arith.constant 0 : i32
    %dma_wait3A_10 = tpu.memref_slice %arg5[%dma_wait3A, %dma_wait3A_9] : memref<16x128xi32, #tpu.memory_space<vmem>> -> memref<1x128xi32, #tpu.memory_space<vmem>>
    %dma_wait3A_11 = tpu.memref_squeeze %dma_wait3A_10 : memref<1x128xi32, #tpu.memory_space<vmem>> -> memref<128xi32, #tpu.memory_space<vmem>>
    %dma_wait3A_12 = arith.constant 0 : i32
    %dma_wait3A_13 = arith.constant 0 : i32
    %dma_wait3A_14 = tpu.memref_slice %arg2[%dma_wait3A_12, %dma_wait3A_13] : memref<1024x128xf32, #tpu.memory_space<hbm>> -> memref<1024x128xf32, #tpu.memory_space<hbm>>
    tpu.wait_indirect_dma semaphore(%arg8 : memref<!tpu.dma_semaphore, #tpu.memory_space<semaphore_mem>>) src(%dma_wait3A_14 : memref<1024x128xf32, #tpu.memory_space<hbm>>) dst(%arg6 : memref<128x128xf32, #tpu.memory_space<vmem>>)
    %add3A_15 = arith.constant 0 : i32
    %add3A_16 = arith.addi %mul3A_2, %add3A_15 : i32
    %mul3A_17 = arith.constant 128 : i32
    %mul3A_18 = arith.muli %add3A_16, %mul3A_17 : i32
    %dma_start3A_19 = arith.constant 0 : i32
    %dma_start3A_20 = tpu.memref_slice %arg4[%mul3A_18, %dma_start3A_19] : memref<65536x128xf32, #tpu.memory_space<hbm>> -> memref<128x128xf32, #tpu.memory_space<hbm>>
    %dma_start3A_21 = arith.constant 0 : i32
    %dma_start3A_22 = tpu.memref_slice %arg4[%mul3A_18, %dma_start3A_21] : memref<65536x128xf32, #tpu.memory_space<hbm>> -> memref<128x128xf32, #tpu.memory_space<hbm>>
    tpu.enqueue_dma source(%arg6 : memref<128x128xf32, #tpu.memory_space<vmem>>) target(%dma_start3A_22 : memref<128x128xf32, #tpu.memory_space<hbm>>) target_semaphore(%arg9 : memref<!tpu.dma_semaphore, #tpu.memory_space<semaphore_mem>>)
    %dma_start3A_23 = arith.constant 1 : i32
    %dma_start3A_24 = arith.constant 0 : i32
    %dma_start3A_25 = tpu.memref_slice %arg5[%dma_start3A_23, %dma_start3A_24] : memref<16x128xi32, #tpu.memory_space<vmem>> -> memref<1x128xi32, #tpu.memory_space<vmem>>
    %dma_start3A_26 = tpu.memref_squeeze %dma_start3A_25 : memref<1x128xi32, #tpu.memory_space<vmem>> -> memref<128xi32, #tpu.memory_space<vmem>>
    %dma_start3A_27 = arith.constant 0 : i32
    %dma_start3A_28 = arith.constant 0 : i32
    %dma_start3A_29 = tpu.memref_slice %arg2[%dma_start3A_27, %dma_start3A_28] : memref<1024x128xf32, #tpu.memory_space<hbm>> -> memref<1024x128xf32, #tpu.memory_space<hbm>>
    tpu.enqueue_indirect_dma source(%dma_start3A_29 : memref<1024x128xf32, #tpu.memory_space<hbm>>) target(%arg7 : memref<128x128xf32, #tpu.memory_space<vmem>>) offsets(%dma_start3A_26 : memref<128xi32, #tpu.memory_space<vmem>>) semaphore(%arg8 : memref<!tpu.dma_semaphore, #tpu.memory_space<semaphore_mem>>)
    %dma_wait3A_30 = arith.constant 1 : i32
    %dma_wait3A_31 = arith.constant 0 : i32
    %dma_wait3A_32 = tpu.memref_slice %arg5[%dma_wait3A_30, %dma_wait3A_31] : memref<16x128xi32, #tpu.memory_space<vmem>> -> memref<1x128xi32, #tpu.memory_space<vmem>>
    %dma_wait3A_33 = tpu.memref_squeeze %dma_wait3A_32 : memref<1x128xi32, #tpu.memory_space<vmem>> -> memref<128xi32, #tpu.memory_space<vmem>>
    %dma_wait3A_34 = arith.constant 0 : i32
    %dma_wait3A_35 = arith.constant 0 : i32
    %dma_wait3A_36 = tpu.memref_slice %arg2[%dma_wait3A_34, %dma_wait3A_35] : memref<1024x128xf32, #tpu.memory_space<hbm>> -> memref<1024x128xf32, #tpu.memory_space<hbm>>
    tpu.wait_indirect_dma semaphore(%arg8 : memref<!tpu.dma_semaphore, #tpu.memory_space<semaphore_mem>>) src(%dma_wait3A_36 : memref<1024x128xf32, #tpu.memory_space<hbm>>) dst(%arg7 : memref<128x128xf32, #tpu.memory_space<vmem>>)
    %add3A_37 = arith.constant 1 : i32
    %add3A_38 = arith.addi %mul3A_2, %add3A_37 : i32
    %mul3A_39 = arith.constant 128 : i32
    %mul3A_40 = arith.muli %add3A_38, %mul3A_39 : i32
    %dma_start3A_41 = arith.constant 0 : i32
    %dma_start3A_42 = tpu.memref_slice %arg4[%mul3A_40, %dma_start3A_41] : memref<65536x128xf32, #tpu.memory_space<hbm>> -> memref<128x128xf32, #tpu.memory_space<hbm>>
    %dma_start3A_43 = arith.constant 0 : i32
    %dma_start3A_44 = tpu.memref_slice %arg4[%mul3A_40, %dma_start3A_43] : memref<65536x128xf32, #tpu.memory_space<hbm>> -> memref<128x128xf32, #tpu.memory_space<hbm>>
    tpu.enqueue_dma source(%arg7 : memref<128x128xf32, #tpu.memory_space<vmem>>) target(%dma_start3A_44 : memref<128x128xf32, #tpu.memory_space<hbm>>) target_semaphore(%arg10 : memref<!tpu.dma_semaphore, #tpu.memory_space<semaphore_mem>>)
    %add3A_45 = arith.constant 2 : i32
    %add3A_46 = arith.addi %mul3A_2, %add3A_45 : i32
    %sub3A = arith.constant 2 : i32
    %sub3A_47 = arith.subi %add3A_46, %sub3A : i32
    %mul3A_48 = arith.constant 128 : i32
    %mul3A_49 = arith.muli %sub3A_47, %mul3A_48 : i32
    %dma_wait3A_50 = arith.constant 0 : i32
    %dma_wait3A_51 = tpu.memref_slice %arg4[%mul3A_49, %dma_wait3A_50] : memref<65536x128xf32, #tpu.memory_space<hbm>> -> memref<128x128xf32, #tpu.memory_space<hbm>>
    %dma_wait3A_52 = arith.constant 0 : i32
    %dma_wait3A_53 = tpu.memref_slice %arg4[%mul3A_49, %dma_wait3A_52] : memref<65536x128xf32, #tpu.memory_space<hbm>> -> memref<128x128xf32, #tpu.memory_space<hbm>>
    tpu.wait_dma2 semaphore(%arg9 : memref<!tpu.dma_semaphore, #tpu.memory_space<semaphore_mem>>) src(%arg6 : memref<128x128xf32, #tpu.memory_space<vmem>>) dst(%dma_wait3A_53 : memref<128x128xf32, #tpu.memory_space<hbm>>)
    %dma_start3A_54 = arith.constant 2 : i32
    %dma_start3A_55 = arith.constant 0 : i32
    %dma_start3A_56 = tpu.memref_slice %arg5[%dma_start3A_54, %dma_start3A_55] : memref<16x128xi32, #tpu.memory_space<vmem>> -> memref<1x128xi32, #tpu.memory_space<vmem>>
    %dma_start3A_57 = tpu.memref_squeeze %dma_start3A_56 : memref<1x128xi32, #tpu.memory_space<vmem>> -> memref<128xi32, #tpu.memory_space<vmem>>
    %dma_start3A_58 = arith.constant 0 : i32
    %dma_start3A_59 = arith.constant 0 : i32
    %dma_start3A_60 = tpu.memref_slice %arg2[%dma_start3A_58, %dma_start3A_59] : memref<1024x128xf32, #tpu.memory_space<hbm>> -> memref<1024x128xf32, #tpu.memory_space<hbm>>
    tpu.enqueue_indirect_dma source(%dma_start3A_60 : memref<1024x128xf32, #tpu.memory_space<hbm>>) target(%arg6 : memref<128x128xf32, #tpu.memory_space<vmem>>) offsets(%dma_start3A_57 : memref<128xi32, #tpu.memory_space<vmem>>) semaphore(%arg8 : memref<!tpu.dma_semaphore, #tpu.memory_space<semaphore_mem>>)
    %dma_wait3A_61 = arith.constant 2 : i32
    %dma_wait3A_62 = arith.constant 0 : i32
    %dma_wait3A_63 = tpu.memref_slice %arg5[%dma_wait3A_61, %dma_wait3A_62] : memref<16x128xi32, #tpu.memory_space<vmem>> -> memref<1x128xi32, #tpu.memory_space<vmem>>
    %dma_wait3A_64 = tpu.memref_squeeze %dma_wait3A_63 : memref<1x128xi32, #tpu.memory_space<vmem>> -> memref<128xi32, #tpu.memory_space<vmem>>
    %dma_wait3A_65 = arith.constant 0 : i32
    %dma_wait3A_66 = arith.constant 0 : i32
    %dma_wait3A_67 = tpu.memref_slice %arg2[%dma_wait3A_65, %dma_wait3A_66] : memref<1024x128xf32, #tpu.memory_space<hbm>> -> memref<1024x128xf32, #tpu.memory_space<hbm>>
    tpu.wait_indirect_dma semaphore(%arg8 : memref<!tpu.dma_semaphore, #tpu.memory_space<semaphore_mem>>) src(%dma_wait3A_67 : memref<1024x128xf32, #tpu.memory_space<hbm>>) dst(%arg6 : memref<128x128xf32, #tpu.memory_space<vmem>>)
    %add3A_68 = arith.constant 2 : i32
    %add3A_69 = arith.addi %mul3A_2, %add3A_68 : i32
    %mul3A_70 = arith.constant 128 : i32
    %mul3A_71 = arith.muli %add3A_69, %mul3A_70 : i32
    %dma_start3A_72 = arith.constant 0 : i32
    %dma_start3A_73 = tpu.memref_slice %arg4[%mul3A_71, %dma_start3A_72] : memref<65536x128xf32, #tpu.memory_space<hbm>> -> memref<128x128xf32, #tpu.memory_space<hbm>>
    %dma_start3A_74 = arith.constant 0 : i32
    %dma_start3A_75 = tpu.memref_slice %arg4[%mul3A_71, %dma_start3A_74] : memref<65536x128xf32, #tpu.memory_space<hbm>> -> memref<128x128xf32, #tpu.memory_space<hbm>>
    tpu.enqueue_dma source(%arg6 : memref<128x128xf32, #tpu.memory_space<vmem>>) target(%dma_start3A_75 : memref<128x128xf32, #tpu.memory_space<hbm>>) target_semaphore(%arg9 : memref<!tpu.dma_semaphore, #tpu.memory_space<semaphore_mem>>)
    %add3A_76 = arith.constant 3 : i32
    %add3A_77 = arith.addi %mul3A_2, %add3A_76 : i32
    %sub3A_78 = arith.constant 2 : i32
    %sub3A_79 = arith.subi %add3A_77, %sub3A_78 : i32
    %mul3A_80 = arith.constant 128 : i32
    %mul3A_81 = arith.muli %sub3A_79, %mul3A_80 : i32
    %dma_wait3A_82 = arith.constant 0 : i32
    %dma_wait3A_83 = tpu.memref_slice %arg4[%mul3A_81, %dma_wait3A_82] : memref<65536x128xf32, #tpu.memory_space<hbm>> -> memref<128x128xf32, #tpu.memory_space<hbm>>
    %dma_wait3A_84 = arith.constant 0 : i32
    %dma_wait3A_85 = tpu.memref_slice %arg4[%mul3A_81, %dma_wait3A_84] : memref<65536x128xf32, #tpu.memory_space<hbm>> -> memref<128x128xf32, #tpu.memory_space<hbm>>
    tpu.wait_dma2 semaphore(%arg10 : memref<!tpu.dma_semaphore, #tpu.memory_space<semaphore_mem>>) src(%arg7 : memref<128x128xf32, #tpu.memory_space<vmem>>) dst(%dma_wait3A_85 : memref<128x128xf32, #tpu.memory_space<hbm>>)
    %dma_start3A_86 = arith.constant 3 : i32
    %dma_start3A_87 = arith.constant 0 : i32
    %dma_start3A_88 = tpu.memref_slice %arg5[%dma_start3A_86, %dma_start3A_87] : memref<16x128xi32, #tpu.memory_space<vmem>> -> memref<1x128xi32, #tpu.memory_space<vmem>>
    %dma_start3A_89 = tpu.memref_squeeze %dma_start3A_88 : memref<1x128xi32, #tpu.memory_space<vmem>> -> memref<128xi32, #tpu.memory_space<vmem>>
    %dma_start3A_90 = arith.constant 0 : i32
    %dma_start3A_91 = arith.constant 0 : i32
    %dma_start3A_92 = tpu.memref_slice %arg2[%dma_start3A_90, %dma_start3A_91] : memref<1024x128xf32, #tpu.memory_space<hbm>> -> memref<1024x128xf32, #tpu.memory_space<hbm>>
    tpu.enqueue_indirect_dma source(%dma_start3A_92 : memref<1024x128xf32, #tpu.memory_space<hbm>>) target(%arg7 : memref<128x128xf32, #tpu.memory_space<vmem>>) offsets(%dma_start3A_89 : memref<128xi32, #tpu.memory_space<vmem>>) semaphore(%arg8 : memref<!tpu.dma_semaphore, #tpu.memory_space<semaphore_mem>>)
    %dma_wait3A_93 = arith.constant 3 : i32
    %dma_wait3A_94 = arith.constant 0 : i32
    %dma_wait3A_95 = tpu.memref_slice %arg5[%dma_wait3A_93, %dma_wait3A_94] : memref<16x128xi32, #tpu.memory_space<vmem>> -> memref<1x128xi32, #tpu.memory_space<vmem>>
    %dma_wait3A_96 = tpu.memref_squeeze %dma_wait3A_95 : memref<1x128xi32, #tpu.memory_space<vmem>> -> memref<128xi32, #tpu.memory_space<vmem>>
    %dma_wait3A_97 = arith.constant 0 : i32
    %dma_wait3A_98 = arith.constant 0 : i32
    %dma_wait3A_99 = tpu.memref_slice %arg2[%dma_wait3A_97, %dma_wait3A_98] : memref<1024x128xf32, #tpu.memory_space<hbm>> -> memref<1024x128xf32, #tpu.memory_space<hbm>>
    tpu.wait_indirect_dma semaphore(%arg8 : memref<!tpu.dma_semaphore, #tpu.memory_space<semaphore_mem>>) src(%dma_wait3A_99 : memref<1024x128xf32, #tpu.memory_space<hbm>>) dst(%arg7 : memref<128x128xf32, #tpu.memory_space<vmem>>)
    %add3A_100 = arith.constant 3 : i32
    %add3A_101 = arith.addi %mul3A_2, %add3A_100 : i32
    %mul3A_102 = arith.constant 128 : i32
    %mul3A_103 = arith.muli %add3A_101, %mul3A_102 : i32
    %dma_start3A_104 = arith.constant 0 : i32
    %dma_start3A_105 = tpu.memref_slice %arg4[%mul3A_103, %dma_start3A_104] : memref<65536x128xf32, #tpu.memory_space<hbm>> -> memref<128x128xf32, #tpu.memory_space<hbm>>
    %dma_start3A_106 = arith.constant 0 : i32
    %dma_start3A_107 = tpu.memref_slice %arg4[%mul3A_103, %dma_start3A_106] : memref<65536x128xf32, #tpu.memory_space<hbm>> -> memref<128x128xf32, #tpu.memory_space<hbm>>
    tpu.enqueue_dma source(%arg7 : memref<128x128xf32, #tpu.memory_space<vmem>>) target(%dma_start3A_107 : memref<128x128xf32, #tpu.memory_space<hbm>>) target_semaphore(%arg10 : memref<!tpu.dma_semaphore, #tpu.memory_space<semaphore_mem>>)
    %add3A_108 = arith.constant 4 : i32
    %add3A_109 = arith.addi %mul3A_2, %add3A_108 : i32
    %sub3A_110 = arith.constant 2 : i32
    %sub3A_111 = arith.subi %add3A_109, %sub3A_110 : i32
    %mul3A_112 = arith.constant 128 : i32
    %mul3A_113 = arith.muli %sub3A_111, %mul3A_112 : i32
    %dma_wait3A_114 = arith.constant 0 : i32
    %dma_wait3A_115 = tpu.memref_slice %arg4[%mul3A_113, %dma_wait3A_114] : memref<65536x128xf32, #tpu.memory_space<hbm>> -> memref<128x128xf32, #tpu.memory_space<hbm>>
    %dma_wait3A_116 = arith.constant 0 : i32
    %dma_wait3A_117 = tpu.memref_slice %arg4[%mul3A_113, %dma_wait3A_116] : memref<65536x128xf32, #tpu.memory_space<hbm>> -> memref<128x128xf32, #tpu.memory_space<hbm>>
    tpu.wait_dma2 semaphore(%arg9 : memref<!tpu.dma_semaphore, #tpu.memory_space<semaphore_mem>>) src(%arg6 : memref<128x128xf32, #tpu.memory_space<vmem>>) dst(%dma_wait3A_117 : memref<128x128xf32, #tpu.memory_space<hbm>>)
    %dma_start3A_118 = arith.constant 4 : i32
    %dma_start3A_119 = arith.constant 0 : i32
    %dma_start3A_120 = tpu.memref_slice %arg5[%dma_start3A_118, %dma_start3A_119] : memref<16x128xi32, #tpu.memory_space<vmem>> -> memref<1x128xi32, #tpu.memory_space<vmem>>
    %dma_start3A_121 = tpu.memref_squeeze %dma_start3A_120 : memref<1x128xi32, #tpu.memory_space<vmem>> -> memref<128xi32, #tpu.memory_space<vmem>>
    %dma_start3A_122 = arith.constant 0 : i32
    %dma_start3A_123 = arith.constant 0 : i32
    %dma_start3A_124 = tpu.memref_slice %arg2[%dma_start3A_122, %dma_start3A_123] : memref<1024x128xf32, #tpu.memory_space<hbm>> -> memref<1024x128xf32, #tpu.memory_space<hbm>>
    tpu.enqueue_indirect_dma source(%dma_start3A_124 : memref<1024x128xf32, #tpu.memory_space<hbm>>) target(%arg6 : memref<128x128xf32, #tpu.memory_space<vmem>>) offsets(%dma_start3A_121 : memref<128xi32, #tpu.memory_space<vmem>>) semaphore(%arg8 : memref<!tpu.dma_semaphore, #tpu.memory_space<semaphore_mem>>)
    %dma_wait3A_125 = arith.constant 4 : i32
    %dma_wait3A_126 = arith.constant 0 : i32
    %dma_wait3A_127 = tpu.memref_slice %arg5[%dma_wait3A_125, %dma_wait3A_126] : memref<16x128xi32, #tpu.memory_space<vmem>> -> memref<1x128xi32, #tpu.memory_space<vmem>>
    %dma_wait3A_128 = tpu.memref_squeeze %dma_wait3A_127 : memref<1x128xi32, #tpu.memory_space<vmem>> -> memref<128xi32, #tpu.memory_space<vmem>>
    %dma_wait3A_129 = arith.constant 0 : i32
    %dma_wait3A_130 = arith.constant 0 : i32
    %dma_wait3A_131 = tpu.memref_slice %arg2[%dma_wait3A_129, %dma_wait3A_130] : memref<1024x128xf32, #tpu.memory_space<hbm>> -> memref<1024x128xf32, #tpu.memory_space<hbm>>
    tpu.wait_indirect_dma semaphore(%arg8 : memref<!tpu.dma_semaphore, #tpu.memory_space<semaphore_mem>>) src(%dma_wait3A_131 : memref<1024x128xf32, #tpu.memory_space<hbm>>) dst(%arg6 : memref<128x128xf32, #tpu.memory_space<vmem>>)
    %add3A_132 = arith.constant 4 : i32
    %add3A_133 = arith.addi %mul3A_2, %add3A_132 : i32
    %mul3A_134 = arith.constant 128 : i32
    %mul3A_135 = arith.muli %add3A_133, %mul3A_134 : i32
    %dma_start3A_136 = arith.constant 0 : i32
    %dma_start3A_137 = tpu.memref_slice %arg4[%mul3A_135, %dma_start3A_136] : memref<65536x128xf32, #tpu.memory_space<hbm>> -> memref<128x128xf32, #tpu.memory_space<hbm>>
    %dma_start3A_138 = arith.constant 0 : i32
    %dma_start3A_139 = tpu.memref_slice %arg4[%mul3A_135, %dma_start3A_138] : memref<65536x128xf32, #tpu.memory_space<hbm>> -> memref<128x128xf32, #tpu.memory_space<hbm>>
    tpu.enqueue_dma source(%arg6 : memref<128x128xf32, #tpu.memory_space<vmem>>) target(%dma_start3A_139 : memref<128x128xf32, #tpu.memory_space<hbm>>) target_semaphore(%arg9 : memref<!tpu.dma_semaphore, #tpu.memory_space<semaphore_mem>>)
    %add3A_140 = arith.constant 5 : i32
    %add3A_141 = arith.addi %mul3A_2, %add3A_140 : i32
    %sub3A_142 = arith.constant 2 : i32
    %sub3A_143 = arith.subi %add3A_141, %sub3A_142 : i32
    %mul3A_144 = arith.constant 128 : i32
    %mul3A_145 = arith.muli %sub3A_143, %mul3A_144 : i32
    %dma_wait3A_146 = arith.constant 0 : i32
    %dma_wait3A_147 = tpu.memref_slice %arg4[%mul3A_145, %dma_wait3A_146] : memref<65536x128xf32, #tpu.memory_space<hbm>> -> memref<128x128xf32, #tpu.memory_space<hbm>>
    %dma_wait3A_148 = arith.constant 0 : i32
    %dma_wait3A_149 = tpu.memref_slice %arg4[%mul3A_145, %dma_wait3A_148] : memref<65536x128xf32, #tpu.memory_space<hbm>> -> memref<128x128xf32, #tpu.memory_space<hbm>>
    tpu.wait_dma2 semaphore(%arg10 : memref<!tpu.dma_semaphore, #tpu.memory_space<semaphore_mem>>) src(%arg7 : memref<128x128xf32, #tpu.memory_space<vmem>>) dst(%dma_wait3A_149 : memref<128x128xf32, #tpu.memory_space<hbm>>)
    %dma_start3A_150 = arith.constant 5 : i32
    %dma_start3A_151 = arith.constant 0 : i32
    %dma_start3A_152 = tpu.memref_slice %arg5[%dma_start3A_150, %dma_start3A_151] : memref<16x128xi32, #tpu.memory_space<vmem>> -> memref<1x128xi32, #tpu.memory_space<vmem>>
    %dma_start3A_153 = tpu.memref_squeeze %dma_start3A_152 : memref<1x128xi32, #tpu.memory_space<vmem>> -> memref<128xi32, #tpu.memory_space<vmem>>
    %dma_start3A_154 = arith.constant 0 : i32
    %dma_start3A_155 = arith.constant 0 : i32
    %dma_start3A_156 = tpu.memref_slice %arg2[%dma_start3A_154, %dma_start3A_155] : memref<1024x128xf32, #tpu.memory_space<hbm>> -> memref<1024x128xf32, #tpu.memory_space<hbm>>
    tpu.enqueue_indirect_dma source(%dma_start3A_156 : memref<1024x128xf32, #tpu.memory_space<hbm>>) target(%arg7 : memref<128x128xf32, #tpu.memory_space<vmem>>) offsets(%dma_start3A_153 : memref<128xi32, #tpu.memory_space<vmem>>) semaphore(%arg8 : memref<!tpu.dma_semaphore, #tpu.memory_space<semaphore_mem>>)
    %dma_wait3A_157 = arith.constant 5 : i32
    %dma_wait3A_158 = arith.constant 0 : i32
    %dma_wait3A_159 = tpu.memref_slice %arg5[%dma_wait3A_157, %dma_wait3A_158] : memref<16x128xi32, #tpu.memory_space<vmem>> -> memref<1x128xi32, #tpu.memory_space<vmem>>
    %dma_wait3A_160 = tpu.memref_squeeze %dma_wait3A_159 : memref<1x128xi32, #tpu.memory_space<vmem>> -> memref<128xi32, #tpu.memory_space<vmem>>
    %dma_wait3A_161 = arith.constant 0 : i32
    %dma_wait3A_162 = arith.constant 0 : i32
    %dma_wait3A_163 = tpu.memref_slice %arg2[%dma_wait3A_161, %dma_wait3A_162] : memref<1024x128xf32, #tpu.memory_space<hbm>> -> memref<1024x128xf32, #tpu.memory_space<hbm>>
    tpu.wait_indirect_dma semaphore(%arg8 : memref<!tpu.dma_semaphore, #tpu.memory_space<semaphore_mem>>) src(%dma_wait3A_163 : memref<1024x128xf32, #tpu.memory_space<hbm>>) dst(%arg7 : memref<128x128xf32, #tpu.memory_space<vmem>>)
    %add3A_164 = arith.constant 5 : i32
    %add3A_165 = arith.addi %mul3A_2, %add3A_164 : i32
    %mul3A_166 = arith.constant 128 : i32
    %mul3A_167 = arith.muli %add3A_165, %mul3A_166 : i32
    %dma_start3A_168 = arith.constant 0 : i32
    %dma_start3A_169 = tpu.memref_slice %arg4[%mul3A_167, %dma_start3A_168] : memref<65536x128xf32, #tpu.memory_space<hbm>> -> memref<128x128xf32, #tpu.memory_space<hbm>>
    %dma_start3A_170 = arith.constant 0 : i32
    %dma_start3A_171 = tpu.memref_slice %arg4[%mul3A_167, %dma_start3A_170] : memref<65536x128xf32, #tpu.memory_space<hbm>> -> memref<128x128xf32, #tpu.memory_space<hbm>>
    tpu.enqueue_dma source(%arg7 : memref<128x128xf32, #tpu.memory_space<vmem>>) target(%dma_start3A_171 : memref<128x128xf32, #tpu.memory_space<hbm>>) target_semaphore(%arg10 : memref<!tpu.dma_semaphore, #tpu.memory_space<semaphore_mem>>)
    %add3A_172 = arith.constant 6 : i32
    %add3A_173 = arith.addi %mul3A_2, %add3A_172 : i32
    %sub3A_174 = arith.constant 2 : i32
    %sub3A_175 = arith.subi %add3A_173, %sub3A_174 : i32
    %mul3A_176 = arith.constant 128 : i32
    %mul3A_177 = arith.muli %sub3A_175, %mul3A_176 : i32
    %dma_wait3A_178 = arith.constant 0 : i32
    %dma_wait3A_179 = tpu.memref_slice %arg4[%mul3A_177, %dma_wait3A_178] : memref<65536x128xf32, #tpu.memory_space<hbm>> -> memref<128x128xf32, #tpu.memory_space<hbm>>
    %dma_wait3A_180 = arith.constant 0 : i32
    %dma_wait3A_181 = tpu.memref_slice %arg4[%mul3A_177, %dma_wait3A_180] : memref<65536x128xf32, #tpu.memory_space<hbm>> -> memref<128x128xf32, #tpu.memory_space<hbm>>
    tpu.wait_dma2 semaphore(%arg9 : memref<!tpu.dma_semaphore, #tpu.memory_space<semaphore_mem>>) src(%arg6 : memref<128x128xf32, #tpu.memory_space<vmem>>) dst(%dma_wait3A_181 : memref<128x128xf32, #tpu.memory_space<hbm>>)
    %dma_start3A_182 = arith.constant 6 : i32
    %dma_start3A_183 = arith.constant 0 : i32
    %dma_start3A_184 = tpu.memref_slice %arg5[%dma_start3A_182, %dma_start3A_183] : memref<16x128xi32, #tpu.memory_space<vmem>> -> memref<1x128xi32, #tpu.memory_space<vmem>>
    %dma_start3A_185 = tpu.memref_squeeze %dma_start3A_184 : memref<1x128xi32, #tpu.memory_space<vmem>> -> memref<128xi32, #tpu.memory_space<vmem>>
    %dma_start3A_186 = arith.constant 0 : i32
    %dma_start3A_187 = arith.constant 0 : i32
    %dma_start3A_188 = tpu.memref_slice %arg2[%dma_start3A_186, %dma_start3A_187] : memref<1024x128xf32, #tpu.memory_space<hbm>> -> memref<1024x128xf32, #tpu.memory_space<hbm>>
    tpu.enqueue_indirect_dma source(%dma_start3A_188 : memref<1024x128xf32, #tpu.memory_space<hbm>>) target(%arg6 : memref<128x128xf32, #tpu.memory_space<vmem>>) offsets(%dma_start3A_185 : memref<128xi32, #tpu.memory_space<vmem>>) semaphore(%arg8 : memref<!tpu.dma_semaphore, #tpu.memory_space<semaphore_mem>>)
    %dma_wait3A_189 = arith.constant 6 : i32
    %dma_wait3A_190 = arith.constant 0 : i32
    %dma_wait3A_191 = tpu.memref_slice %arg5[%dma_wait3A_189, %dma_wait3A_190] : memref<16x128xi32, #tpu.memory_space<vmem>> -> memref<1x128xi32, #tpu.memory_space<vmem>>
    %dma_wait3A_192 = tpu.memref_squeeze %dma_wait3A_191 : memref<1x128xi32, #tpu.memory_space<vmem>> -> memref<128xi32, #tpu.memory_space<vmem>>
    %dma_wait3A_193 = arith.constant 0 : i32
    %dma_wait3A_194 = arith.constant 0 : i32
    %dma_wait3A_195 = tpu.memref_slice %arg2[%dma_wait3A_193, %dma_wait3A_194] : memref<1024x128xf32, #tpu.memory_space<hbm>> -> memref<1024x128xf32, #tpu.memory_space<hbm>>
    tpu.wait_indirect_dma semaphore(%arg8 : memref<!tpu.dma_semaphore, #tpu.memory_space<semaphore_mem>>) src(%dma_wait3A_195 : memref<1024x128xf32, #tpu.memory_space<hbm>>) dst(%arg6 : memref<128x128xf32, #tpu.memory_space<vmem>>)
    %add3A_196 = arith.constant 6 : i32
    %add3A_197 = arith.addi %mul3A_2, %add3A_196 : i32
    %mul3A_198 = arith.constant 128 : i32
    %mul3A_199 = arith.muli %add3A_197, %mul3A_198 : i32
    %dma_start3A_200 = arith.constant 0 : i32
    %dma_start3A_201 = tpu.memref_slice %arg4[%mul3A_199, %dma_start3A_200] : memref<65536x128xf32, #tpu.memory_space<hbm>> -> memref<128x128xf32, #tpu.memory_space<hbm>>
    %dma_start3A_202 = arith.constant 0 : i32
    %dma_start3A_203 = tpu.memref_slice %arg4[%mul3A_199, %dma_start3A_202] : memref<65536x128xf32, #tpu.memory_space<hbm>> -> memref<128x128xf32, #tpu.memory_space<hbm>>
    tpu.enqueue_dma source(%arg6 : memref<128x128xf32, #tpu.memory_space<vmem>>) target(%dma_start3A_203 : memref<128x128xf32, #tpu.memory_space<hbm>>) target_semaphore(%arg9 : memref<!tpu.dma_semaphore, #tpu.memory_space<semaphore_mem>>)
    %add3A_204 = arith.constant 7 : i32
    %add3A_205 = arith.addi %mul3A_2, %add3A_204 : i32
    %sub3A_206 = arith.constant 2 : i32
    %sub3A_207 = arith.subi %add3A_205, %sub3A_206 : i32
    %mul3A_208 = arith.constant 128 : i32
    %mul3A_209 = arith.muli %sub3A_207, %mul3A_208 : i32
    %dma_wait3A_210 = arith.constant 0 : i32
    %dma_wait3A_211 = tpu.memref_slice %arg4[%mul3A_209, %dma_wait3A_210] : memref<65536x128xf32, #tpu.memory_space<hbm>> -> memref<128x128xf32, #tpu.memory_space<hbm>>
    %dma_wait3A_212 = arith.constant 0 : i32
    %dma_wait3A_213 = tpu.memref_slice %arg4[%mul3A_209, %dma_wait3A_212] : memref<65536x128xf32, #tpu.memory_space<hbm>> -> memref<128x128xf32, #tpu.memory_space<hbm>>
    tpu.wait_dma2 semaphore(%arg10 : memref<!tpu.dma_semaphore, #tpu.memory_space<semaphore_mem>>) src(%arg7 : memref<128x128xf32, #tpu.memory_space<vmem>>) dst(%dma_wait3A_213 : memref<128x128xf32, #tpu.memory_space<hbm>>)
    %dma_start3A_214 = arith.constant 7 : i32
    %dma_start3A_215 = arith.constant 0 : i32
    %dma_start3A_216 = tpu.memref_slice %arg5[%dma_start3A_214, %dma_start3A_215] : memref<16x128xi32, #tpu.memory_space<vmem>> -> memref<1x128xi32, #tpu.memory_space<vmem>>
    %dma_start3A_217 = tpu.memref_squeeze %dma_start3A_216 : memref<1x128xi32, #tpu.memory_space<vmem>> -> memref<128xi32, #tpu.memory_space<vmem>>
    %dma_start3A_218 = arith.constant 0 : i32
    %dma_start3A_219 = arith.constant 0 : i32
    %dma_start3A_220 = tpu.memref_slice %arg2[%dma_start3A_218, %dma_start3A_219] : memref<1024x128xf32, #tpu.memory_space<hbm>> -> memref<1024x128xf32, #tpu.memory_space<hbm>>
    tpu.enqueue_indirect_dma source(%dma_start3A_220 : memref<1024x128xf32, #tpu.memory_space<hbm>>) target(%arg7 : memref<128x128xf32, #tpu.memory_space<vmem>>) offsets(%dma_start3A_217 : memref<128xi32, #tpu.memory_space<vmem>>) semaphore(%arg8 : memref<!tpu.dma_semaphore, #tpu.memory_space<semaphore_mem>>)
    %dma_wait3A_221 = arith.constant 7 : i32
    %dma_wait3A_222 = arith.constant 0 : i32
    %dma_wait3A_223 = tpu.memref_slice %arg5[%dma_wait3A_221, %dma_wait3A_222] : memref<16x128xi32, #tpu.memory_space<vmem>> -> memref<1x128xi32, #tpu.memory_space<vmem>>
    %dma_wait3A_224 = tpu.memref_squeeze %dma_wait3A_223 : memref<1x128xi32, #tpu.memory_space<vmem>> -> memref<128xi32, #tpu.memory_space<vmem>>
    %dma_wait3A_225 = arith.constant 0 : i32
    %dma_wait3A_226 = arith.constant 0 : i32
    %dma_wait3A_227 = tpu.memref_slice %arg2[%dma_wait3A_225, %dma_wait3A_226] : memref<1024x128xf32, #tpu.memory_space<hbm>> -> memref<1024x128xf32, #tpu.memory_space<hbm>>
    tpu.wait_indirect_dma semaphore(%arg8 : memref<!tpu.dma_semaphore, #tpu.memory_space<semaphore_mem>>) src(%dma_wait3A_227 : memref<1024x128xf32, #tpu.memory_space<hbm>>) dst(%arg7 : memref<128x128xf32, #tpu.memory_space<vmem>>)
    %add3A_228 = arith.constant 7 : i32
    %add3A_229 = arith.addi %mul3A_2, %add3A_228 : i32
    %mul3A_230 = arith.constant 128 : i32
    %mul3A_231 = arith.muli %add3A_229, %mul3A_230 : i32
    %dma_start3A_232 = arith.constant 0 : i32
    %dma_start3A_233 = tpu.memref_slice %arg4[%mul3A_231, %dma_start3A_232] : memref<65536x128xf32, #tpu.memory_space<hbm>> -> memref<128x128xf32, #tpu.memory_space<hbm>>
    %dma_start3A_234 = arith.constant 0 : i32
    %dma_start3A_235 = tpu.memref_slice %arg4[%mul3A_231, %dma_start3A_234] : memref<65536x128xf32, #tpu.memory_space<hbm>> -> memref<128x128xf32, #tpu.memory_space<hbm>>
    tpu.enqueue_dma source(%arg7 : memref<128x128xf32, #tpu.memory_space<vmem>>) target(%dma_start3A_235 : memref<128x128xf32, #tpu.memory_space<hbm>>) target_semaphore(%arg10 : memref<!tpu.dma_semaphore, #tpu.memory_space<semaphore_mem>>)
    %add3A_236 = arith.constant 8 : i32
    %add3A_237 = arith.addi %mul3A_2, %add3A_236 : i32
    %sub3A_238 = arith.constant 2 : i32
    %sub3A_239 = arith.subi %add3A_237, %sub3A_238 : i32
    %mul3A_240 = arith.constant 128 : i32
    %mul3A_241 = arith.muli %sub3A_239, %mul3A_240 : i32
    %dma_wait3A_242 = arith.constant 0 : i32
    %dma_wait3A_243 = tpu.memref_slice %arg4[%mul3A_241, %dma_wait3A_242] : memref<65536x128xf32, #tpu.memory_space<hbm>> -> memref<128x128xf32, #tpu.memory_space<hbm>>
    %dma_wait3A_244 = arith.constant 0 : i32
    %dma_wait3A_245 = tpu.memref_slice %arg4[%mul3A_241, %dma_wait3A_244] : memref<65536x128xf32, #tpu.memory_space<hbm>> -> memref<128x128xf32, #tpu.memory_space<hbm>>
    tpu.wait_dma2 semaphore(%arg9 : memref<!tpu.dma_semaphore, #tpu.memory_space<semaphore_mem>>) src(%arg6 : memref<128x128xf32, #tpu.memory_space<vmem>>) dst(%dma_wait3A_245 : memref<128x128xf32, #tpu.memory_space<hbm>>)
    %dma_start3A_246 = arith.constant 8 : i32
    %dma_start3A_247 = arith.constant 0 : i32
    %dma_start3A_248 = tpu.memref_slice %arg5[%dma_start3A_246, %dma_start3A_247] : memref<16x128xi32, #tpu.memory_space<vmem>> -> memref<1x128xi32, #tpu.memory_space<vmem>>
    %dma_start3A_249 = tpu.memref_squeeze %dma_start3A_248 : memref<1x128xi32, #tpu.memory_space<vmem>> -> memref<128xi32, #tpu.memory_space<vmem>>
    %dma_start3A_250 = arith.constant 0 : i32
    %dma_start3A_251 = arith.constant 0 : i32
    %dma_start3A_252 = tpu.memref_slice %arg2[%dma_start3A_250, %dma_start3A_251] : memref<1024x128xf32, #tpu.memory_space<hbm>> -> memref<1024x128xf32, #tpu.memory_space<hbm>>
    tpu.enqueue_indirect_dma source(%dma_start3A_252 : memref<1024x128xf32, #tpu.memory_space<hbm>>) target(%arg6 : memref<128x128xf32, #tpu.memory_space<vmem>>) offsets(%dma_start3A_249 : memref<128xi32, #tpu.memory_space<vmem>>) semaphore(%arg8 : memref<!tpu.dma_semaphore, #tpu.memory_space<semaphore_mem>>)
    %dma_wait3A_253 = arith.constant 8 : i32
    %dma_wait3A_254 = arith.constant 0 : i32
    %dma_wait3A_255 = tpu.memref_slice %arg5[%dma_wait3A_253, %dma_wait3A_254] : memref<16x128xi32, #tpu.memory_space<vmem>> -> memref<1x128xi32, #tpu.memory_space<vmem>>
    %dma_wait3A_256 = tpu.memref_squeeze %dma_wait3A_255 : memref<1x128xi32, #tpu.memory_space<vmem>> -> memref<128xi32, #tpu.memory_space<vmem>>
    %dma_wait3A_257 = arith.constant 0 : i32
    %dma_wait3A_258 = arith.constant 0 : i32
    %dma_wait3A_259 = tpu.memref_slice %arg2[%dma_wait3A_257, %dma_wait3A_258] : memref<1024x128xf32, #tpu.memory_space<hbm>> -> memref<1024x128xf32, #tpu.memory_space<hbm>>
    tpu.wait_indirect_dma semaphore(%arg8 : memref<!tpu.dma_semaphore, #tpu.memory_space<semaphore_mem>>) src(%dma_wait3A_259 : memref<1024x128xf32, #tpu.memory_space<hbm>>) dst(%arg6 : memref<128x128xf32, #tpu.memory_space<vmem>>)
    %add3A_260 = arith.constant 8 : i32
    %add3A_261 = arith.addi %mul3A_2, %add3A_260 : i32
    %mul3A_262 = arith.constant 128 : i32
    %mul3A_263 = arith.muli %add3A_261, %mul3A_262 : i32
    %dma_start3A_264 = arith.constant 0 : i32
    %dma_start3A_265 = tpu.memref_slice %arg4[%mul3A_263, %dma_start3A_264] : memref<65536x128xf32, #tpu.memory_space<hbm>> -> memref<128x128xf32, #tpu.memory_space<hbm>>
    %dma_start3A_266 = arith.constant 0 : i32
    %dma_start3A_267 = tpu.memref_slice %arg4[%mul3A_263, %dma_start3A_266] : memref<65536x128xf32, #tpu.memory_space<hbm>> -> memref<128x128xf32, #tpu.memory_space<hbm>>
    tpu.enqueue_dma source(%arg6 : memref<128x128xf32, #tpu.memory_space<vmem>>) target(%dma_start3A_267 : memref<128x128xf32, #tpu.memory_space<hbm>>) target_semaphore(%arg9 : memref<!tpu.dma_semaphore, #tpu.memory_space<semaphore_mem>>)
    %add3A_268 = arith.constant 9 : i32
    %add3A_269 = arith.addi %mul3A_2, %add3A_268 : i32
    %sub3A_270 = arith.constant 2 : i32
    %sub3A_271 = arith.subi %add3A_269, %sub3A_270 : i32
    %mul3A_272 = arith.constant 128 : i32
    %mul3A_273 = arith.muli %sub3A_271, %mul3A_272 : i32
    %dma_wait3A_274 = arith.constant 0 : i32
    %dma_wait3A_275 = tpu.memref_slice %arg4[%mul3A_273, %dma_wait3A_274] : memref<65536x128xf32, #tpu.memory_space<hbm>> -> memref<128x128xf32, #tpu.memory_space<hbm>>
    %dma_wait3A_276 = arith.constant 0 : i32
    %dma_wait3A_277 = tpu.memref_slice %arg4[%mul3A_273, %dma_wait3A_276] : memref<65536x128xf32, #tpu.memory_space<hbm>> -> memref<128x128xf32, #tpu.memory_space<hbm>>
    tpu.wait_dma2 semaphore(%arg10 : memref<!tpu.dma_semaphore, #tpu.memory_space<semaphore_mem>>) src(%arg7 : memref<128x128xf32, #tpu.memory_space<vmem>>) dst(%dma_wait3A_277 : memref<128x128xf32, #tpu.memory_space<hbm>>)
    %dma_start3A_278 = arith.constant 9 : i32
    %dma_start3A_279 = arith.constant 0 : i32
    %dma_start3A_280 = tpu.memref_slice %arg5[%dma_start3A_278, %dma_start3A_279] : memref<16x128xi32, #tpu.memory_space<vmem>> -> memref<1x128xi32, #tpu.memory_space<vmem>>
    %dma_start3A_281 = tpu.memref_squeeze %dma_start3A_280 : memref<1x128xi32, #tpu.memory_space<vmem>> -> memref<128xi32, #tpu.memory_space<vmem>>
    %dma_start3A_282 = arith.constant 0 : i32
    %dma_start3A_283 = arith.constant 0 : i32
    %dma_start3A_284 = tpu.memref_slice %arg2[%dma_start3A_282, %dma_start3A_283] : memref<1024x128xf32, #tpu.memory_space<hbm>> -> memref<1024x128xf32, #tpu.memory_space<hbm>>
    tpu.enqueue_indirect_dma source(%dma_start3A_284 : memref<1024x128xf32, #tpu.memory_space<hbm>>) target(%arg7 : memref<128x128xf32, #tpu.memory_space<vmem>>) offsets(%dma_start3A_281 : memref<128xi32, #tpu.memory_space<vmem>>) semaphore(%arg8 : memref<!tpu.dma_semaphore, #tpu.memory_space<semaphore_mem>>)
    %dma_wait3A_285 = arith.constant 9 : i32
    %dma_wait3A_286 = arith.constant 0 : i32
    %dma_wait3A_287 = tpu.memref_slice %arg5[%dma_wait3A_285, %dma_wait3A_286] : memref<16x128xi32, #tpu.memory_space<vmem>> -> memref<1x128xi32, #tpu.memory_space<vmem>>
    %dma_wait3A_288 = tpu.memref_squeeze %dma_wait3A_287 : memref<1x128xi32, #tpu.memory_space<vmem>> -> memref<128xi32, #tpu.memory_space<vmem>>
    %dma_wait3A_289 = arith.constant 0 : i32
    %dma_wait3A_290 = arith.constant 0 : i32
    %dma_wait3A_291 = tpu.memref_slice %arg2[%dma_wait3A_289, %dma_wait3A_290] : memref<1024x128xf32, #tpu.memory_space<hbm>> -> memref<1024x128xf32, #tpu.memory_space<hbm>>
    tpu.wait_indirect_dma semaphore(%arg8 : memref<!tpu.dma_semaphore, #tpu.memory_space<semaphore_mem>>) src(%dma_wait3A_291 : memref<1024x128xf32, #tpu.memory_space<hbm>>) dst(%arg7 : memref<128x128xf32, #tpu.memory_space<vmem>>)
    %add3A_292 = arith.constant 9 : i32
    %add3A_293 = arith.addi %mul3A_2, %add3A_292 : i32
    %mul3A_294 = arith.constant 128 : i32
    %mul3A_295 = arith.muli %add3A_293, %mul3A_294 : i32
    %dma_start3A_296 = arith.constant 0 : i32
    %dma_start3A_297 = tpu.memref_slice %arg4[%mul3A_295, %dma_start3A_296] : memref<65536x128xf32, #tpu.memory_space<hbm>> -> memref<128x128xf32, #tpu.memory_space<hbm>>
    %dma_start3A_298 = arith.constant 0 : i32
    %dma_start3A_299 = tpu.memref_slice %arg4[%mul3A_295, %dma_start3A_298] : memref<65536x128xf32, #tpu.memory_space<hbm>> -> memref<128x128xf32, #tpu.memory_space<hbm>>
    tpu.enqueue_dma source(%arg7 : memref<128x128xf32, #tpu.memory_space<vmem>>) target(%dma_start3A_299 : memref<128x128xf32, #tpu.memory_space<hbm>>) target_semaphore(%arg10 : memref<!tpu.dma_semaphore, #tpu.memory_space<semaphore_mem>>)
    %add3A_300 = arith.constant 10 : i32
    %add3A_301 = arith.addi %mul3A_2, %add3A_300 : i32
    %sub3A_302 = arith.constant 2 : i32
    %sub3A_303 = arith.subi %add3A_301, %sub3A_302 : i32
    %mul3A_304 = arith.constant 128 : i32
    %mul3A_305 = arith.muli %sub3A_303, %mul3A_304 : i32
    %dma_wait3A_306 = arith.constant 0 : i32
    %dma_wait3A_307 = tpu.memref_slice %arg4[%mul3A_305, %dma_wait3A_306] : memref<65536x128xf32, #tpu.memory_space<hbm>> -> memref<128x128xf32, #tpu.memory_space<hbm>>
    %dma_wait3A_308 = arith.constant 0 : i32
    %dma_wait3A_309 = tpu.memref_slice %arg4[%mul3A_305, %dma_wait3A_308] : memref<65536x128xf32, #tpu.memory_space<hbm>> -> memref<128x128xf32, #tpu.memory_space<hbm>>
    tpu.wait_dma2 semaphore(%arg9 : memref<!tpu.dma_semaphore, #tpu.memory_space<semaphore_mem>>) src(%arg6 : memref<128x128xf32, #tpu.memory_space<vmem>>) dst(%dma_wait3A_309 : memref<128x128xf32, #tpu.memory_space<hbm>>)
    %dma_start3A_310 = arith.constant 10 : i32
    %dma_start3A_311 = arith.constant 0 : i32
    %dma_start3A_312 = tpu.memref_slice %arg5[%dma_start3A_310, %dma_start3A_311] : memref<16x128xi32, #tpu.memory_space<vmem>> -> memref<1x128xi32, #tpu.memory_space<vmem>>
    %dma_start3A_313 = tpu.memref_squeeze %dma_start3A_312 : memref<1x128xi32, #tpu.memory_space<vmem>> -> memref<128xi32, #tpu.memory_space<vmem>>
    %dma_start3A_314 = arith.constant 0 : i32
    %dma_start3A_315 = arith.constant 0 : i32
    %dma_start3A_316 = tpu.memref_slice %arg2[%dma_start3A_314, %dma_start3A_315] : memref<1024x128xf32, #tpu.memory_space<hbm>> -> memref<1024x128xf32, #tpu.memory_space<hbm>>
    tpu.enqueue_indirect_dma source(%dma_start3A_316 : memref<1024x128xf32, #tpu.memory_space<hbm>>) target(%arg6 : memref<128x128xf32, #tpu.memory_space<vmem>>) offsets(%dma_start3A_313 : memref<128xi32, #tpu.memory_space<vmem>>) semaphore(%arg8 : memref<!tpu.dma_semaphore, #tpu.memory_space<semaphore_mem>>)
    %dma_wait3A_317 = arith.constant 10 : i32
    %dma_wait3A_318 = arith.constant 0 : i32
    %dma_wait3A_319 = tpu.memref_slice %arg5[%dma_wait3A_317, %dma_wait3A_318] : memref<16x128xi32, #tpu.memory_space<vmem>> -> memref<1x128xi32, #tpu.memory_space<vmem>>
    %dma_wait3A_320 = tpu.memref_squeeze %dma_wait3A_319 : memref<1x128xi32, #tpu.memory_space<vmem>> -> memref<128xi32, #tpu.memory_space<vmem>>
    %dma_wait3A_321 = arith.constant 0 : i32
    %dma_wait3A_322 = arith.constant 0 : i32
    %dma_wait3A_323 = tpu.memref_slice %arg2[%dma_wait3A_321, %dma_wait3A_322] : memref<1024x128xf32, #tpu.memory_space<hbm>> -> memref<1024x128xf32, #tpu.memory_space<hbm>>
    tpu.wait_indirect_dma semaphore(%arg8 : memref<!tpu.dma_semaphore, #tpu.memory_space<semaphore_mem>>) src(%dma_wait3A_323 : memref<1024x128xf32, #tpu.memory_space<hbm>>) dst(%arg6 : memref<128x128xf32, #tpu.memory_space<vmem>>)
    %add3A_324 = arith.constant 10 : i32
    %add3A_325 = arith.addi %mul3A_2, %add3A_324 : i32
    %mul3A_326 = arith.constant 128 : i32
    %mul3A_327 = arith.muli %add3A_325, %mul3A_326 : i32
    %dma_start3A_328 = arith.constant 0 : i32
    %dma_start3A_329 = tpu.memref_slice %arg4[%mul3A_327, %dma_start3A_328] : memref<65536x128xf32, #tpu.memory_space<hbm>> -> memref<128x128xf32, #tpu.memory_space<hbm>>
    %dma_start3A_330 = arith.constant 0 : i32
    %dma_start3A_331 = tpu.memref_slice %arg4[%mul3A_327, %dma_start3A_330] : memref<65536x128xf32, #tpu.memory_space<hbm>> -> memref<128x128xf32, #tpu.memory_space<hbm>>
    tpu.enqueue_dma source(%arg6 : memref<128x128xf32, #tpu.memory_space<vmem>>) target(%dma_start3A_331 : memref<128x128xf32, #tpu.memory_space<hbm>>) target_semaphore(%arg9 : memref<!tpu.dma_semaphore, #tpu.memory_space<semaphore_mem>>)
    %add3A_332 = arith.constant 11 : i32
    %add3A_333 = arith.addi %mul3A_2, %add3A_332 : i32
    %sub3A_334 = arith.constant 2 : i32
    %sub3A_335 = arith.subi %add3A_333, %sub3A_334 : i32
    %mul3A_336 = arith.constant 128 : i32
    %mul3A_337 = arith.muli %sub3A_335, %mul3A_336 : i32
    %dma_wait3A_338 = arith.constant 0 : i32
    %dma_wait3A_339 = tpu.memref_slice %arg4[%mul3A_337, %dma_wait3A_338] : memref<65536x128xf32, #tpu.memory_space<hbm>> -> memref<128x128xf32, #tpu.memory_space<hbm>>
    %dma_wait3A_340 = arith.constant 0 : i32
    %dma_wait3A_341 = tpu.memref_slice %arg4[%mul3A_337, %dma_wait3A_340] : memref<65536x128xf32, #tpu.memory_space<hbm>> -> memref<128x128xf32, #tpu.memory_space<hbm>>
    tpu.wait_dma2 semaphore(%arg10 : memref<!tpu.dma_semaphore, #tpu.memory_space<semaphore_mem>>) src(%arg7 : memref<128x128xf32, #tpu.memory_space<vmem>>) dst(%dma_wait3A_341 : memref<128x128xf32, #tpu.memory_space<hbm>>)
    %dma_start3A_342 = arith.constant 11 : i32
    %dma_start3A_343 = arith.constant 0 : i32
    %dma_start3A_344 = tpu.memref_slice %arg5[%dma_start3A_342, %dma_start3A_343] : memref<16x128xi32, #tpu.memory_space<vmem>> -> memref<1x128xi32, #tpu.memory_space<vmem>>
    %dma_start3A_345 = tpu.memref_squeeze %dma_start3A_344 : memref<1x128xi32, #tpu.memory_space<vmem>> -> memref<128xi32, #tpu.memory_space<vmem>>
    %dma_start3A_346 = arith.constant 0 : i32
    %dma_start3A_347 = arith.constant 0 : i32
    %dma_start3A_348 = tpu.memref_slice %arg2[%dma_start3A_346, %dma_start3A_347] : memref<1024x128xf32, #tpu.memory_space<hbm>> -> memref<1024x128xf32, #tpu.memory_space<hbm>>
    tpu.enqueue_indirect_dma source(%dma_start3A_348 : memref<1024x128xf32, #tpu.memory_space<hbm>>) target(%arg7 : memref<128x128xf32, #tpu.memory_space<vmem>>) offsets(%dma_start3A_345 : memref<128xi32, #tpu.memory_space<vmem>>) semaphore(%arg8 : memref<!tpu.dma_semaphore, #tpu.memory_space<semaphore_mem>>)
    %dma_wait3A_349 = arith.constant 11 : i32
    %dma_wait3A_350 = arith.constant 0 : i32
    %dma_wait3A_351 = tpu.memref_slice %arg5[%dma_wait3A_349, %dma_wait3A_350] : memref<16x128xi32, #tpu.memory_space<vmem>> -> memref<1x128xi32, #tpu.memory_space<vmem>>
    %dma_wait3A_352 = tpu.memref_squeeze %dma_wait3A_351 : memref<1x128xi32, #tpu.memory_space<vmem>> -> memref<128xi32, #tpu.memory_space<vmem>>
    %dma_wait3A_353 = arith.constant 0 : i32
    %dma_wait3A_354 = arith.constant 0 : i32
    %dma_wait3A_355 = tpu.memref_slice %arg2[%dma_wait3A_353, %dma_wait3A_354] : memref<1024x128xf32, #tpu.memory_space<hbm>> -> memref<1024x128xf32, #tpu.memory_space<hbm>>
    tpu.wait_indirect_dma semaphore(%arg8 : memref<!tpu.dma_semaphore, #tpu.memory_space<semaphore_mem>>) src(%dma_wait3A_355 : memref<1024x128xf32, #tpu.memory_space<hbm>>) dst(%arg7 : memref<128x128xf32, #tpu.memory_space<vmem>>)
    %add3A_356 = arith.constant 11 : i32
    %add3A_357 = arith.addi %mul3A_2, %add3A_356 : i32
    %mul3A_358 = arith.constant 128 : i32
    %mul3A_359 = arith.muli %add3A_357, %mul3A_358 : i32
    %dma_start3A_360 = arith.constant 0 : i32
    %dma_start3A_361 = tpu.memref_slice %arg4[%mul3A_359, %dma_start3A_360] : memref<65536x128xf32, #tpu.memory_space<hbm>> -> memref<128x128xf32, #tpu.memory_space<hbm>>
    %dma_start3A_362 = arith.constant 0 : i32
    %dma_start3A_363 = tpu.memref_slice %arg4[%mul3A_359, %dma_start3A_362] : memref<65536x128xf32, #tpu.memory_space<hbm>> -> memref<128x128xf32, #tpu.memory_space<hbm>>
    tpu.enqueue_dma source(%arg7 : memref<128x128xf32, #tpu.memory_space<vmem>>) target(%dma_start3A_363 : memref<128x128xf32, #tpu.memory_space<hbm>>) target_semaphore(%arg10 : memref<!tpu.dma_semaphore, #tpu.memory_space<semaphore_mem>>)
    %add3A_364 = arith.constant 12 : i32
    %add3A_365 = arith.addi %mul3A_2, %add3A_364 : i32
    %sub3A_366 = arith.constant 2 : i32
    %sub3A_367 = arith.subi %add3A_365, %sub3A_366 : i32
    %mul3A_368 = arith.constant 128 : i32
    %mul3A_369 = arith.muli %sub3A_367, %mul3A_368 : i32
    %dma_wait3A_370 = arith.constant 0 : i32
    %dma_wait3A_371 = tpu.memref_slice %arg4[%mul3A_369, %dma_wait3A_370] : memref<65536x128xf32, #tpu.memory_space<hbm>> -> memref<128x128xf32, #tpu.memory_space<hbm>>
    %dma_wait3A_372 = arith.constant 0 : i32
    %dma_wait3A_373 = tpu.memref_slice %arg4[%mul3A_369, %dma_wait3A_372] : memref<65536x128xf32, #tpu.memory_space<hbm>> -> memref<128x128xf32, #tpu.memory_space<hbm>>
    tpu.wait_dma2 semaphore(%arg9 : memref<!tpu.dma_semaphore, #tpu.memory_space<semaphore_mem>>) src(%arg6 : memref<128x128xf32, #tpu.memory_space<vmem>>) dst(%dma_wait3A_373 : memref<128x128xf32, #tpu.memory_space<hbm>>)
    %dma_start3A_374 = arith.constant 12 : i32
    %dma_start3A_375 = arith.constant 0 : i32
    %dma_start3A_376 = tpu.memref_slice %arg5[%dma_start3A_374, %dma_start3A_375] : memref<16x128xi32, #tpu.memory_space<vmem>> -> memref<1x128xi32, #tpu.memory_space<vmem>>
    %dma_start3A_377 = tpu.memref_squeeze %dma_start3A_376 : memref<1x128xi32, #tpu.memory_space<vmem>> -> memref<128xi32, #tpu.memory_space<vmem>>
    %dma_start3A_378 = arith.constant 0 : i32
    %dma_start3A_379 = arith.constant 0 : i32
    %dma_start3A_380 = tpu.memref_slice %arg2[%dma_start3A_378, %dma_start3A_379] : memref<1024x128xf32, #tpu.memory_space<hbm>> -> memref<1024x128xf32, #tpu.memory_space<hbm>>
    tpu.enqueue_indirect_dma source(%dma_start3A_380 : memref<1024x128xf32, #tpu.memory_space<hbm>>) target(%arg6 : memref<128x128xf32, #tpu.memory_space<vmem>>) offsets(%dma_start3A_377 : memref<128xi32, #tpu.memory_space<vmem>>) semaphore(%arg8 : memref<!tpu.dma_semaphore, #tpu.memory_space<semaphore_mem>>)
    %dma_wait3A_381 = arith.constant 12 : i32
    %dma_wait3A_382 = arith.constant 0 : i32
    %dma_wait3A_383 = tpu.memref_slice %arg5[%dma_wait3A_381, %dma_wait3A_382] : memref<16x128xi32, #tpu.memory_space<vmem>> -> memref<1x128xi32, #tpu.memory_space<vmem>>
    %dma_wait3A_384 = tpu.memref_squeeze %dma_wait3A_383 : memref<1x128xi32, #tpu.memory_space<vmem>> -> memref<128xi32, #tpu.memory_space<vmem>>
    %dma_wait3A_385 = arith.constant 0 : i32
    %dma_wait3A_386 = arith.constant 0 : i32
    %dma_wait3A_387 = tpu.memref_slice %arg2[%dma_wait3A_385, %dma_wait3A_386] : memref<1024x128xf32, #tpu.memory_space<hbm>> -> memref<1024x128xf32, #tpu.memory_space<hbm>>
    tpu.wait_indirect_dma semaphore(%arg8 : memref<!tpu.dma_semaphore, #tpu.memory_space<semaphore_mem>>) src(%dma_wait3A_387 : memref<1024x128xf32, #tpu.memory_space<hbm>>) dst(%arg6 : memref<128x128xf32, #tpu.memory_space<vmem>>)
    %add3A_388 = arith.constant 12 : i32
    %add3A_389 = arith.addi %mul3A_2, %add3A_388 : i32
    %mul3A_390 = arith.constant 128 : i32
    %mul3A_391 = arith.muli %add3A_389, %mul3A_390 : i32
    %dma_start3A_392 = arith.constant 0 : i32
    %dma_start3A_393 = tpu.memref_slice %arg4[%mul3A_391, %dma_start3A_392] : memref<65536x128xf32, #tpu.memory_space<hbm>> -> memref<128x128xf32, #tpu.memory_space<hbm>>
    %dma_start3A_394 = arith.constant 0 : i32
    %dma_start3A_395 = tpu.memref_slice %arg4[%mul3A_391, %dma_start3A_394] : memref<65536x128xf32, #tpu.memory_space<hbm>> -> memref<128x128xf32, #tpu.memory_space<hbm>>
    tpu.enqueue_dma source(%arg6 : memref<128x128xf32, #tpu.memory_space<vmem>>) target(%dma_start3A_395 : memref<128x128xf32, #tpu.memory_space<hbm>>) target_semaphore(%arg9 : memref<!tpu.dma_semaphore, #tpu.memory_space<semaphore_mem>>)
    %add3A_396 = arith.constant 13 : i32
    %add3A_397 = arith.addi %mul3A_2, %add3A_396 : i32
    %sub3A_398 = arith.constant 2 : i32
    %sub3A_399 = arith.subi %add3A_397, %sub3A_398 : i32
    %mul3A_400 = arith.constant 128 : i32
    %mul3A_401 = arith.muli %sub3A_399, %mul3A_400 : i32
    %dma_wait3A_402 = arith.constant 0 : i32
    %dma_wait3A_403 = tpu.memref_slice %arg4[%mul3A_401, %dma_wait3A_402] : memref<65536x128xf32, #tpu.memory_space<hbm>> -> memref<128x128xf32, #tpu.memory_space<hbm>>
    %dma_wait3A_404 = arith.constant 0 : i32
    %dma_wait3A_405 = tpu.memref_slice %arg4[%mul3A_401, %dma_wait3A_404] : memref<65536x128xf32, #tpu.memory_space<hbm>> -> memref<128x128xf32, #tpu.memory_space<hbm>>
    tpu.wait_dma2 semaphore(%arg10 : memref<!tpu.dma_semaphore, #tpu.memory_space<semaphore_mem>>) src(%arg7 : memref<128x128xf32, #tpu.memory_space<vmem>>) dst(%dma_wait3A_405 : memref<128x128xf32, #tpu.memory_space<hbm>>)
    %dma_start3A_406 = arith.constant 13 : i32
    %dma_start3A_407 = arith.constant 0 : i32
    %dma_start3A_408 = tpu.memref_slice %arg5[%dma_start3A_406, %dma_start3A_407] : memref<16x128xi32, #tpu.memory_space<vmem>> -> memref<1x128xi32, #tpu.memory_space<vmem>>
    %dma_start3A_409 = tpu.memref_squeeze %dma_start3A_408 : memref<1x128xi32, #tpu.memory_space<vmem>> -> memref<128xi32, #tpu.memory_space<vmem>>
    %dma_start3A_410 = arith.constant 0 : i32
    %dma_start3A_411 = arith.constant 0 : i32
    %dma_start3A_412 = tpu.memref_slice %arg2[%dma_start3A_410, %dma_start3A_411] : memref<1024x128xf32, #tpu.memory_space<hbm>> -> memref<1024x128xf32, #tpu.memory_space<hbm>>
    tpu.enqueue_indirect_dma source(%dma_start3A_412 : memref<1024x128xf32, #tpu.memory_space<hbm>>) target(%arg7 : memref<128x128xf32, #tpu.memory_space<vmem>>) offsets(%dma_start3A_409 : memref<128xi32, #tpu.memory_space<vmem>>) semaphore(%arg8 : memref<!tpu.dma_semaphore, #tpu.memory_space<semaphore_mem>>)
    %dma_wait3A_413 = arith.constant 13 : i32
    %dma_wait3A_414 = arith.constant 0 : i32
    %dma_wait3A_415 = tpu.memref_slice %arg5[%dma_wait3A_413, %dma_wait3A_414] : memref<16x128xi32, #tpu.memory_space<vmem>> -> memref<1x128xi32, #tpu.memory_space<vmem>>
    %dma_wait3A_416 = tpu.memref_squeeze %dma_wait3A_415 : memref<1x128xi32, #tpu.memory_space<vmem>> -> memref<128xi32, #tpu.memory_space<vmem>>
    %dma_wait3A_417 = arith.constant 0 : i32
    %dma_wait3A_418 = arith.constant 0 : i32
    %dma_wait3A_419 = tpu.memref_slice %arg2[%dma_wait3A_417, %dma_wait3A_418] : memref<1024x128xf32, #tpu.memory_space<hbm>> -> memref<1024x128xf32, #tpu.memory_space<hbm>>
    tpu.wait_indirect_dma semaphore(%arg8 : memref<!tpu.dma_semaphore, #tpu.memory_space<semaphore_mem>>) src(%dma_wait3A_419 : memref<1024x128xf32, #tpu.memory_space<hbm>>) dst(%arg7 : memref<128x128xf32, #tpu.memory_space<vmem>>)
    %add3A_420 = arith.constant 13 : i32
    %add3A_421 = arith.addi %mul3A_2, %add3A_420 : i32
    %mul3A_422 = arith.constant 128 : i32
    %mul3A_423 = arith.muli %add3A_421, %mul3A_422 : i32
    %dma_start3A_424 = arith.constant 0 : i32
    %dma_start3A_425 = tpu.memref_slice %arg4[%mul3A_423, %dma_start3A_424] : memref<65536x128xf32, #tpu.memory_space<hbm>> -> memref<128x128xf32, #tpu.memory_space<hbm>>
    %dma_start3A_426 = arith.constant 0 : i32
    %dma_start3A_427 = tpu.memref_slice %arg4[%mul3A_423, %dma_start3A_426] : memref<65536x128xf32, #tpu.memory_space<hbm>> -> memref<128x128xf32, #tpu.memory_space<hbm>>
    tpu.enqueue_dma source(%arg7 : memref<128x128xf32, #tpu.memory_space<vmem>>) target(%dma_start3A_427 : memref<128x128xf32, #tpu.memory_space<hbm>>) target_semaphore(%arg10 : memref<!tpu.dma_semaphore, #tpu.memory_space<semaphore_mem>>)
    %add3A_428 = arith.constant 14 : i32
    %add3A_429 = arith.addi %mul3A_2, %add3A_428 : i32
    %sub3A_430 = arith.constant 2 : i32
    %sub3A_431 = arith.subi %add3A_429, %sub3A_430 : i32
    %mul3A_432 = arith.constant 128 : i32
    %mul3A_433 = arith.muli %sub3A_431, %mul3A_432 : i32
    %dma_wait3A_434 = arith.constant 0 : i32
    %dma_wait3A_435 = tpu.memref_slice %arg4[%mul3A_433, %dma_wait3A_434] : memref<65536x128xf32, #tpu.memory_space<hbm>> -> memref<128x128xf32, #tpu.memory_space<hbm>>
    %dma_wait3A_436 = arith.constant 0 : i32
    %dma_wait3A_437 = tpu.memref_slice %arg4[%mul3A_433, %dma_wait3A_436] : memref<65536x128xf32, #tpu.memory_space<hbm>> -> memref<128x128xf32, #tpu.memory_space<hbm>>
    tpu.wait_dma2 semaphore(%arg9 : memref<!tpu.dma_semaphore, #tpu.memory_space<semaphore_mem>>) src(%arg6 : memref<128x128xf32, #tpu.memory_space<vmem>>) dst(%dma_wait3A_437 : memref<128x128xf32, #tpu.memory_space<hbm>>)
    %dma_start3A_438 = arith.constant 14 : i32
    %dma_start3A_439 = arith.constant 0 : i32
    %dma_start3A_440 = tpu.memref_slice %arg5[%dma_start3A_438, %dma_start3A_439] : memref<16x128xi32, #tpu.memory_space<vmem>> -> memref<1x128xi32, #tpu.memory_space<vmem>>
    %dma_start3A_441 = tpu.memref_squeeze %dma_start3A_440 : memref<1x128xi32, #tpu.memory_space<vmem>> -> memref<128xi32, #tpu.memory_space<vmem>>
    %dma_start3A_442 = arith.constant 0 : i32
    %dma_start3A_443 = arith.constant 0 : i32
    %dma_start3A_444 = tpu.memref_slice %arg2[%dma_start3A_442, %dma_start3A_443] : memref<1024x128xf32, #tpu.memory_space<hbm>> -> memref<1024x128xf32, #tpu.memory_space<hbm>>
    tpu.enqueue_indirect_dma source(%dma_start3A_444 : memref<1024x128xf32, #tpu.memory_space<hbm>>) target(%arg6 : memref<128x128xf32, #tpu.memory_space<vmem>>) offsets(%dma_start3A_441 : memref<128xi32, #tpu.memory_space<vmem>>) semaphore(%arg8 : memref<!tpu.dma_semaphore, #tpu.memory_space<semaphore_mem>>)
    %dma_wait3A_445 = arith.constant 14 : i32
    %dma_wait3A_446 = arith.constant 0 : i32
    %dma_wait3A_447 = tpu.memref_slice %arg5[%dma_wait3A_445, %dma_wait3A_446] : memref<16x128xi32, #tpu.memory_space<vmem>> -> memref<1x128xi32, #tpu.memory_space<vmem>>
    %dma_wait3A_448 = tpu.memref_squeeze %dma_wait3A_447 : memref<1x128xi32, #tpu.memory_space<vmem>> -> memref<128xi32, #tpu.memory_space<vmem>>
    %dma_wait3A_449 = arith.constant 0 : i32
    %dma_wait3A_450 = arith.constant 0 : i32
    %dma_wait3A_451 = tpu.memref_slice %arg2[%dma_wait3A_449, %dma_wait3A_450] : memref<1024x128xf32, #tpu.memory_space<hbm>> -> memref<1024x128xf32, #tpu.memory_space<hbm>>
    tpu.wait_indirect_dma semaphore(%arg8 : memref<!tpu.dma_semaphore, #tpu.memory_space<semaphore_mem>>) src(%dma_wait3A_451 : memref<1024x128xf32, #tpu.memory_space<hbm>>) dst(%arg6 : memref<128x128xf32, #tpu.memory_space<vmem>>)
    %add3A_452 = arith.constant 14 : i32
    %add3A_453 = arith.addi %mul3A_2, %add3A_452 : i32
    %mul3A_454 = arith.constant 128 : i32
    %mul3A_455 = arith.muli %add3A_453, %mul3A_454 : i32
    %dma_start3A_456 = arith.constant 0 : i32
    %dma_start3A_457 = tpu.memref_slice %arg4[%mul3A_455, %dma_start3A_456] : memref<65536x128xf32, #tpu.memory_space<hbm>> -> memref<128x128xf32, #tpu.memory_space<hbm>>
    %dma_start3A_458 = arith.constant 0 : i32
    %dma_start3A_459 = tpu.memref_slice %arg4[%mul3A_455, %dma_start3A_458] : memref<65536x128xf32, #tpu.memory_space<hbm>> -> memref<128x128xf32, #tpu.memory_space<hbm>>
    tpu.enqueue_dma source(%arg6 : memref<128x128xf32, #tpu.memory_space<vmem>>) target(%dma_start3A_459 : memref<128x128xf32, #tpu.memory_space<hbm>>) target_semaphore(%arg9 : memref<!tpu.dma_semaphore, #tpu.memory_space<semaphore_mem>>)
    %add3A_460 = arith.constant 15 : i32
    %add3A_461 = arith.addi %mul3A_2, %add3A_460 : i32
    %sub3A_462 = arith.constant 2 : i32
    %sub3A_463 = arith.subi %add3A_461, %sub3A_462 : i32
    %mul3A_464 = arith.constant 128 : i32
    %mul3A_465 = arith.muli %sub3A_463, %mul3A_464 : i32
    %dma_wait3A_466 = arith.constant 0 : i32
    %dma_wait3A_467 = tpu.memref_slice %arg4[%mul3A_465, %dma_wait3A_466] : memref<65536x128xf32, #tpu.memory_space<hbm>> -> memref<128x128xf32, #tpu.memory_space<hbm>>
    %dma_wait3A_468 = arith.constant 0 : i32
    %dma_wait3A_469 = tpu.memref_slice %arg4[%mul3A_465, %dma_wait3A_468] : memref<65536x128xf32, #tpu.memory_space<hbm>> -> memref<128x128xf32, #tpu.memory_space<hbm>>
    tpu.wait_dma2 semaphore(%arg10 : memref<!tpu.dma_semaphore, #tpu.memory_space<semaphore_mem>>) src(%arg7 : memref<128x128xf32, #tpu.memory_space<vmem>>) dst(%dma_wait3A_469 : memref<128x128xf32, #tpu.memory_space<hbm>>)
    %dma_start3A_470 = arith.constant 15 : i32
    %dma_start3A_471 = arith.constant 0 : i32
    %dma_start3A_472 = tpu.memref_slice %arg5[%dma_start3A_470, %dma_start3A_471] : memref<16x128xi32, #tpu.memory_space<vmem>> -> memref<1x128xi32, #tpu.memory_space<vmem>>
    %dma_start3A_473 = tpu.memref_squeeze %dma_start3A_472 : memref<1x128xi32, #tpu.memory_space<vmem>> -> memref<128xi32, #tpu.memory_space<vmem>>
    %dma_start3A_474 = arith.constant 0 : i32
    %dma_start3A_475 = arith.constant 0 : i32
    %dma_start3A_476 = tpu.memref_slice %arg2[%dma_start3A_474, %dma_start3A_475] : memref<1024x128xf32, #tpu.memory_space<hbm>> -> memref<1024x128xf32, #tpu.memory_space<hbm>>
    tpu.enqueue_indirect_dma source(%dma_start3A_476 : memref<1024x128xf32, #tpu.memory_space<hbm>>) target(%arg7 : memref<128x128xf32, #tpu.memory_space<vmem>>) offsets(%dma_start3A_473 : memref<128xi32, #tpu.memory_space<vmem>>) semaphore(%arg8 : memref<!tpu.dma_semaphore, #tpu.memory_space<semaphore_mem>>)
    %dma_wait3A_477 = arith.constant 15 : i32
    %dma_wait3A_478 = arith.constant 0 : i32
    %dma_wait3A_479 = tpu.memref_slice %arg5[%dma_wait3A_477, %dma_wait3A_478] : memref<16x128xi32, #tpu.memory_space<vmem>> -> memref<1x128xi32, #tpu.memory_space<vmem>>
    %dma_wait3A_480 = tpu.memref_squeeze %dma_wait3A_479 : memref<1x128xi32, #tpu.memory_space<vmem>> -> memref<128xi32, #tpu.memory_space<vmem>>
    %dma_wait3A_481 = arith.constant 0 : i32
    %dma_wait3A_482 = arith.constant 0 : i32
    %dma_wait3A_483 = tpu.memref_slice %arg2[%dma_wait3A_481, %dma_wait3A_482] : memref<1024x128xf32, #tpu.memory_space<hbm>> -> memref<1024x128xf32, #tpu.memory_space<hbm>>
    tpu.wait_indirect_dma semaphore(%arg8 : memref<!tpu.dma_semaphore, #tpu.memory_space<semaphore_mem>>) src(%dma_wait3A_483 : memref<1024x128xf32, #tpu.memory_space<hbm>>) dst(%arg7 : memref<128x128xf32, #tpu.memory_space<vmem>>)
    %add3A_484 = arith.constant 15 : i32
    %add3A_485 = arith.addi %mul3A_2, %add3A_484 : i32
    %mul3A_486 = arith.constant 128 : i32
    %mul3A_487 = arith.muli %add3A_485, %mul3A_486 : i32
    %dma_start3A_488 = arith.constant 0 : i32
    %dma_start3A_489 = tpu.memref_slice %arg4[%mul3A_487, %dma_start3A_488] : memref<65536x128xf32, #tpu.memory_space<hbm>> -> memref<128x128xf32, #tpu.memory_space<hbm>>
    %dma_start3A_490 = arith.constant 0 : i32
    %dma_start3A_491 = tpu.memref_slice %arg4[%mul3A_487, %dma_start3A_490] : memref<65536x128xf32, #tpu.memory_space<hbm>> -> memref<128x128xf32, #tpu.memory_space<hbm>>
    tpu.enqueue_dma source(%arg7 : memref<128x128xf32, #tpu.memory_space<vmem>>) target(%dma_start3A_491 : memref<128x128xf32, #tpu.memory_space<hbm>>) target_semaphore(%arg10 : memref<!tpu.dma_semaphore, #tpu.memory_space<semaphore_mem>>)
    %add3A_492 = arith.constant 14 : i32
    %add3A_493 = arith.addi %mul3A_2, %add3A_492 : i32
    %mul3A_494 = arith.constant 128 : i32
    %mul3A_495 = arith.muli %add3A_493, %mul3A_494 : i32
    %dma_wait3A_496 = arith.constant 0 : i32
    %dma_wait3A_497 = tpu.memref_slice %arg4[%mul3A_495, %dma_wait3A_496] : memref<65536x128xf32, #tpu.memory_space<hbm>> -> memref<128x128xf32, #tpu.memory_space<hbm>>
    %dma_wait3A_498 = arith.constant 0 : i32
    %dma_wait3A_499 = tpu.memref_slice %arg4[%mul3A_495, %dma_wait3A_498] : memref<65536x128xf32, #tpu.memory_space<hbm>> -> memref<128x128xf32, #tpu.memory_space<hbm>>
    tpu.wait_dma2 semaphore(%arg9 : memref<!tpu.dma_semaphore, #tpu.memory_space<semaphore_mem>>) src(%arg6 : memref<128x128xf32, #tpu.memory_space<vmem>>) dst(%dma_wait3A_499 : memref<128x128xf32, #tpu.memory_space<hbm>>)
    %add3A_500 = arith.constant 15 : i32
    %add3A_501 = arith.addi %mul3A_2, %add3A_500 : i32
    %mul3A_502 = arith.constant 128 : i32
    %mul3A_503 = arith.muli %add3A_501, %mul3A_502 : i32
    %dma_wait3A_504 = arith.constant 0 : i32
    %dma_wait3A_505 = tpu.memref_slice %arg4[%mul3A_503, %dma_wait3A_504] : memref<65536x128xf32, #tpu.memory_space<hbm>> -> memref<128x128xf32, #tpu.memory_space<hbm>>
    %dma_wait3A_506 = arith.constant 0 : i32
    %dma_wait3A_507 = tpu.memref_slice %arg4[%mul3A_503, %dma_wait3A_506] : memref<65536x128xf32, #tpu.memory_space<hbm>> -> memref<128x128xf32, #tpu.memory_space<hbm>>
    tpu.wait_dma2 semaphore(%arg10 : memref<!tpu.dma_semaphore, #tpu.memory_space<semaphore_mem>>) src(%arg7 : memref<128x128xf32, #tpu.memory_space<vmem>>) dst(%dma_wait3A_507 : memref<128x128xf32, #tpu.memory_space<hbm>>)
    return
  }
}

module attributes {stable_mosaic.version = 14 : i64} {
  func.func @_vq_argmin_kernel(%arg0: i32, %arg1: memref<4096x32xf32, #tpu.memory_space<vmem>>, %arg2: memref<1024x32xf32, #tpu.memory_space<vmem>>, %arg3: memref<1024x1xf32, #tpu.memory_space<vmem>>, %arg4: memref<1x1x4096xf32, #tpu.memory_space<vmem>>, %arg5: memref<1x1x4096xi32, #tpu.memory_space<vmem>>, %arg6: memref<1x1x4096xf32, #tpu.memory_space<vmem>>, %arg7: memref<1024x128xf32, #tpu.memory_space<vmem>>) attributes {dimension_semantics = [#tpu.dimension_semantics<arbitrary>], iteration_bounds = array<i64: 16>, scalar_prefetch = 0 : i64, scratch_operands = 0 : i64, tpu.core_type = #tpu.core_type<tc>, window_params = [{transform_indices = @transform_0, window_bounds = array<i64: 4096, 32>}, {pipeline_mode = #tpu.pipeline_mode<synchronous>, transform_indices = @transform_1, window_bounds = array<i64: 1024, 32>}, {pipeline_mode = #tpu.pipeline_mode<synchronous>, transform_indices = @transform_2, window_bounds = array<i64: 1024, 1>}, {transform_indices = @transform_3, window_bounds = array<i64: 1, 1, 4096>}, {transform_indices = @transform_4, window_bounds = array<i64: 1, 1, 4096>}, {transform_indices = @transform_5, window_bounds = array<i64: 1, 1, 4096>}, {pipeline_mode = #tpu.pipeline_mode<synchronous>, transform_indices = @transform_6, window_bounds = array<i64: 1024, 128>}]} {
    %get3A = arith.constant 0 : index
    %get3A_0 = arith.constant 0 : index
    %get3A_1 = vector.load %arg1[%get3A, %get3A_0] : memref<4096x32xf32, #tpu.memory_space<vmem>>, vector<4096x32xf32>
    %transpose3A = tpu.transpose %get3A_1, [1, 0] : vector<4096x32xf32> -> vector<32x4096xf32>
    %get3A_2 = arith.constant 0 : index
    %get3A_3 = arith.constant 0 : index
    %get3A_4 = vector.load %arg2[%get3A_2, %get3A_3] : memref<1024x32xf32, #tpu.memory_space<vmem>>, vector<1024x32xf32>
    %get3A_5 = arith.constant 0 : index
    %get3A_6 = arith.constant 0 : index
    %get3A_7 = vector.load %arg3[%get3A_5, %get3A_6] : memref<1024x1xf32, #tpu.memory_space<vmem>>, vector<1024x1xf32>
    %get3A_8 = arith.constant 0 : index
    %get3A_9 = arith.constant 0 : index
    %get3A_10 = arith.constant 0 : index
    %get3A_11 = vector.load %arg4[%get3A_8, %get3A_9, %get3A_10] : memref<1x1x4096xf32, #tpu.memory_space<vmem>>, vector<1x1x4096xf32>
    %reshape3A = vector.shape_cast %get3A_11 : vector<1x1x4096xf32> to vector<1x4096xf32>
    %mul3A = arith.constant -2.000000e+00 : f32
    %mul3A_12 = vector.broadcast %mul3A : f32 to vector<32x4096xf32>
    %mul3A_13 = arith.mulf %transpose3A, %mul3A_12 : vector<32x4096xf32>
    %dot_general3A = arith.constant dense<0.000000e+00> : vector<1024x4096xf32>
    %dot_general3A_14 = tpu.matmul %get3A_4, %mul3A_13, %dot_general3A {dimension_numbers = #tpu.dot_dimension_numbers<[1], [0], [0], [1], [0, 0, 1, 1], [], []>, transpose_lhs_hint = false} : vector<1024x32xf32>, vector<32x4096xf32>, vector<1024x4096xf32> -> vector<1024x4096xf32>
    %add3A = vector.broadcast %reshape3A : vector<1x4096xf32> to vector<1024x4096xf32>
    %add3A_15 = vector.broadcast %get3A_7 : vector<1024x1xf32> to vector<1024x4096xf32>
    %add3A_16 = arith.addf %add3A, %add3A_15 : vector<1024x4096xf32>
    %add3A_17 = arith.addf %add3A_16, %dot_general3A_14 : vector<1024x4096xf32>
    %reduce_min3A = arith.constant dense<0x7F800000> : vector<4096xf32>
    %reduce_min3A_18 = vector.multi_reduction <minimumf>, %add3A_17, %reduce_min3A [0] : vector<1024x4096xf32> to vector<4096xf32>
    %broadcast_in_dim3A = vector.shape_cast %reduce_min3A_18 : vector<4096xf32> to vector<1x4096xf32>
    %iota3A = tpu.iota {dimensions = array<i32: 0>} : vector<1024x4096xi32>
    %le3A = vector.broadcast %broadcast_in_dim3A : vector<1x4096xf32> to vector<1024x4096xf32>
    %le3A_19 = arith.cmpf ole, %add3A_17, %le3A : vector<1024x4096xf32>
    %jit3A = arith.constant 1024 : i32
    %broadcast_in_dim3A_20 = vector.broadcast %jit3A : i32 to vector<1024x4096xi32>
    %select_n3A = arith.select %le3A_19, %iota3A, %broadcast_in_dim3A_20 : vector<1024x4096xi1>, vector<1024x4096xi32>
    %reduce_min3A_21 = arith.constant dense<2147483647> : vector<4096xi32>
    %reduce_min3A_22 = vector.multi_reduction <minsi>, %select_n3A, %reduce_min3A_21 [0] : vector<1024x4096xi32> to vector<4096xi32>
    %reshape3A_23 = vector.shape_cast %reduce_min3A_22 : vector<4096xi32> to vector<1x1x4096xi32>
    %swap3A = arith.constant 0 : index
    %swap3A_24 = arith.constant 0 : index
    %swap3A_25 = arith.constant 0 : index
    %swap3A_26 = vector.load %arg5[%swap3A, %swap3A_24, %swap3A_25] : memref<1x1x4096xi32, #tpu.memory_space<vmem>>, vector<1x1x4096xi32>
    tpu.vector_store %arg5[%swap3A, %swap3A_24, %swap3A_25], %reshape3A_23 {strides = array<i32>} : memref<1x1x4096xi32, #tpu.memory_space<vmem>>, vector<1x1x4096xi32>,
    %mul3A_27 = arith.constant 6.250000e-03 : f32
    %mul3A_28 = vector.broadcast %mul3A_27 : f32 to vector<1x4096xf32>
    %mul3A_29 = arith.mulf %broadcast_in_dim3A, %mul3A_28 : vector<1x4096xf32>
    %reshape3A_30 = vector.shape_cast %mul3A_29 : vector<1x4096xf32> to vector<1x1x4096xf32>
    %swap3A_31 = arith.constant 0 : index
    %swap3A_32 = arith.constant 0 : index
    %swap3A_33 = arith.constant 0 : index
    %swap3A_34 = vector.load %arg6[%swap3A_31, %swap3A_32, %swap3A_33] : memref<1x1x4096xf32, #tpu.memory_space<vmem>>, vector<1x1x4096xf32>
    tpu.vector_store %arg6[%swap3A_31, %swap3A_32, %swap3A_33], %reshape3A_30 {strides = array<i32>} : memref<1x1x4096xf32, #tpu.memory_space<vmem>>, vector<1x1x4096xf32>,
    %eq3A = arith.constant 0 : i32
    %eq3A_35 = arith.cmpi eq, %arg0, %eq3A : i32
    %convert_element_type3A = arith.extui %eq3A_35 : i1 to i32
    %cond3A = arith.constant 0 : i32
    %cond3A_36 = arith.cmpi ne, %convert_element_type3A, %cond3A : i32
    scf.if %cond3A_36 {
      %jit3A_37 = arith.constant 0 : i32
      %convert_element_type3A_38 = arith.sitofp %jit3A_37 : i32 to f32
      %pad3A = vector.broadcast %convert_element_type3A_38 : f32 to vector<1024x96xf32>
      %pad3A_39 = tpu.concatenate %get3A_4, %pad3A in 1 : vector<1024x32xf32>, vector<1024x96xf32> -> vector<1024x128xf32>
      %swap3A_40 = arith.constant 0 : index
      %swap3A_41 = arith.constant 0 : index
      %swap3A_42 = vector.load %arg7[%swap3A_40, %swap3A_41] : memref<1024x128xf32, #tpu.memory_space<vmem>>, vector<1024x128xf32>
      tpu.vector_store %arg7[%swap3A_40, %swap3A_41], %pad3A_39 {strides = array<i32>} : memref<1024x128xf32, #tpu.memory_space<vmem>>, vector<1024x128xf32>,
    } else {
    }
    return
  }
  func.func @transform_0(%arg0: i32) -> (i32, i32) {
    %c0_i32 = arith.constant 0 : i32
    %c0_i32_0 = arith.constant 0 : i32
    return %arg0, %c0_i32 : i32, i32
  }
  func.func @transform_1(%arg0: i32) -> (i32, i32) {
    %c0_i32 = arith.constant 0 : i32
    %c0_i32_0 = arith.constant 0 : i32
    %c0_i32_1 = arith.constant 0 : i32
    return %c0_i32, %c0_i32_0 : i32, i32
  }
  func.func @transform_2(%arg0: i32) -> (i32, i32) {
    %c0_i32 = arith.constant 0 : i32
    %c0_i32_0 = arith.constant 0 : i32
    %c0_i32_1 = arith.constant 0 : i32
    return %c0_i32, %c0_i32_0 : i32, i32
  }
  func.func @transform_3(%arg0: i32) -> (i32, i32, i32) {
    %c0_i32 = arith.constant 0 : i32
    %c0_i32_0 = arith.constant 0 : i32
    %c0_i32_1 = arith.constant 0 : i32
    return %arg0, %c0_i32, %c0_i32_0 : i32, i32, i32
  }
  func.func @transform_4(%arg0: i32) -> (i32, i32, i32) {
    %c0_i32 = arith.constant 0 : i32
    %c0_i32_0 = arith.constant 0 : i32
    %c0_i32_1 = arith.constant 0 : i32
    return %arg0, %c0_i32, %c0_i32_0 : i32, i32, i32
  }
  func.func @transform_5(%arg0: i32) -> (i32, i32, i32) {
    %c0_i32 = arith.constant 0 : i32
    %c0_i32_0 = arith.constant 0 : i32
    %c0_i32_1 = arith.constant 0 : i32
    return %arg0, %c0_i32, %c0_i32_0 : i32, i32, i32
  }
  func.func @transform_6(%arg0: i32) -> (i32, i32) {
    %c0_i32 = arith.constant 0 : i32
    %c0_i32_0 = arith.constant 0 : i32
    %c0_i32_1 = arith.constant 0 : i32
    return %c0_i32, %c0_i32_0 : i32, i32
  }
}

</mosaic_0001>

<sc_bundles>
// kernel: kernel.4.cloned.1.call-start
scs
__scs_entry_jumppad:
0x0: {  	(pc) =	sbr.rel $0x88, $3  }
0x1: {  	(tag) =	ssettag $0x0;
	lr =	simm.s32 $0x1  }
0x2: {  	[smem:$0x3F9F] =	sst lr;
	_ =	strace $0xD0000000  }
0x3: {  	_ = 	snop  }
0x4: {  	_ = 	snop  }
0x5: {  	_ = 	snop  }
0x6: {  	_ = 	snop  }
0x7: {  	_ = 	snop  }
__scs_overlays_trampoline_lowered:
0x8: {  	[smem:$0x3FAE] =	sst s0  }
0x9: {  	[smem:$0x3FAF] =	sst s1  }
0xa: {  	[smem:$0x3FB0] =	sst s2  }
0xb: {  	[smem:$0x3FB1] =	sst s3  }
0xc: {  	[smem:$0x3FB2] =	sst s4  }
0xd: {  	[smem:$0x3FB3] =	sst s5  }
0xe: {  	[smem:$0x3FB4] =	sst s6  }
0xf: {  	[smem:$0x3FB5] =	sst s7  }
0x10: {  	[smem:$0x3FB6] =	sst s8  }
0x11: {  	[smem:$0x3FB7] =	sst s9;
	s0 =	simm.s32 @!p0 $0x0  }
0x12: {  	s1 =	sld [smem:$0x3F9D];
	s0 =	simm.s32 @p0 $0x1  }
0x13: {  	[smem:$0x3FB8] =	sst s0;
	s0 =	simm.s32 @!p1 $0x0  }
0x14: {  	s2 =	sld [smem:$0x3F9C];
	s0 =	simm.s32 @p1 $0x1  }
0x15: {  	[smem:$0x3FB9] =	sst s0;
	s0 =	simm.s32 @!p2 $0x0  }
0x16: {  	s3 =	sld [smem:$0x3FDB];
	s0 =	simm.s32 @p2 $0x1  }
0x17: {  	s4 =	simm.s32 $0x1BF5;
	[smem:$0x3FBB] =	sst s0  }
0x18: {  	s0 =	sld [smem:$0x3F9E];
	_ =	swait.ge [sflag:s4], $0x0  }
0x19: {  	s7 =	sld [smem:$0x3F9F]  }
0x1a: {  	s8 =	sadd.s32 $0xFFFFE003, lr  }
0x1b: {  	s9 =	sadd.s32 $0xFFFFFEF7, lr;
	s5 =	simm.s32 $0xFFFFFFFF;
	p2 =	slt.u32 s8, $0xFFFFF086  }
0x1c: {  	p1 =	slt.u32 s9, $0xF7A;
	s5 =	simm.s32 @!p2 $0x0  }
0x1d: {  	s5 =	simm.s32 @p1 $0x1;
	p0 =	seq.s32 s7, s2  }
0x1e: {  	s7 =	smul.u32 @!p0 $0xF7A, s2;
	p2 =	seq.s32 @!p0 s5, $0x0  }
0x1f: {  	s9 =	smul.u32 $0xF7A, s1;
	s8 =	simm.s32 @!p0 $0x1BF5;
	p2 =	por !p2, p0  }
0x20: {  	[sflag:s8] =	ssyncset.s32 @!p0 $0xFFFFF086;
	s6 =	sadd.s32 @!p0 s3, s7;
	s7 =	simm.s32 @!p0 $0x108  }
0x21: {  	s3 =	sadd.s32 s3, s9;
	s6 =	sadd.s32 @!p0 $0x88, s6;
	s7 =	simm.s32 @p2 $0x1082  }
0x22: {  	[simem:s7], [sflag:s8] =	dma.local @!p0 [hbm:s6], $0xF7A  }
0x23: {  	s9 =	sor.u32 $0xD0000000, s2;
	s6 =	simm.s32 $0x108;
	_ =	swait.ge @!p0 [sflag:s8], $0x0  }
0x24: {  	s3 =	sadd.s32 $0x88, s3;
	s6 =	simm.s32 @!p1 $0x1082;
	[sflag:s4] =	ssyncset.s32 $0xFFFFF086  }
0x25: {  	[simem:s6], [sflag:s4] =	dma.local [hbm:s3], $0xF7A  }
0x26: {  	[smem:$0x3F9F] =	sst s1;
	(tag) =	ssettag s2;
	_ =	strace s9  }
0x27: {  	s1 =	sld [smem:$0x3FAF]  }
0x28: {  	s2 =	sld [smem:$0x3FB0]  }
0x29: {  	s4 =	sld [smem:$0x3FB2]  }
0x2a: {  	p0 =	seq.s32 s5, $0x0;
	s5 =	sld [smem:$0x3FB3]  }
0x2b: {  	s6 =	sld [smem:$0x3FB4]  }
0x2c: {  	s7 =	sld [smem:$0x3FB5]  }
0x2d: {  	s3 =	simm.s32 $0x108;
	s8 =	sld [smem:$0x3FB6]  }
0x2e: {  	s3 =	simm.s32 @!p0 $0x1082;
	s9 =	sld [smem:$0x3FB7]  }
0x2f: {  	lr =	sadd.s32 s0, s3;
	s0 =	sld [smem:$0x3FAE]  }
0x30: {  	s3 =	sld [smem:$0x3FB1]  }
0x31: {  	[smem:$0x3FBA] =	sst s10  }
0x32: {  	s10 =	sld [smem:$0x3FB8];
	_ =	sdelay $0x3  }
0x33: {  	p0 =	seq.s32 s10, $0x1;
	s10 =	sld [smem:$0x3FBA];
	_ =	sdelay $0x3  }
0x34: {  	[smem:$0x3FBA] =	sst s10  }
0x35: {  	s10 =	sld [smem:$0x3FB9];
	_ =	sdelay $0x3  }
0x36: {  	p1 =	seq.s32 s10, $0x1;
	s10 =	sld [smem:$0x3FBA];
	_ =	sdelay $0x3  }
0x37: {  	[smem:$0x3FBA] =	sst s10  }
0x38: {  	s10 =	sld [smem:$0x3FBB]  }
0x39: {  	_ = 	snop;
	(pc) =	sbr.ind lr, $3  }
0x3a: {  	_ = 	snop  }
0x3b: {  	_ = 	snop  }
0x3c: {  	p2 =	seq.s32 s10, $0x1;
	s10 =	sld [smem:$0x3FBA]  }
0x3d: {  	_ =	shalt  }
0x3e: {  	_ =	shalt  }
0x3f: {  	_ =	shalt  }
0x40: {  	_ =	shalt  }
0x41: {  	_ =	shalt  }
0x42: {  	_ =	shalt  }
0x43: {  	_ =	shalt  }
0x44: {  	_ =	shalt  }
0x45: {  	_ =	shalt  }
0x46: {  	_ =	shalt  }
0x47: {  	_ =	shalt  }
0x48: {  	_ =	shalt  }
0x49: {  	_ =	shalt  }
0x4a: {  	_ =	shalt  }
0x4b: {  	_ =	shalt  }
0x4c: {  	_ =	shalt  }
0x4d: {  	_ =	shalt  }
0x4e: {  	_ =	shalt  }
0x4f: {  	_ =	shalt  }
0x50: {  	_ =	shalt  }
0x51: {  	_ =	shalt  }
0x52: {  	_ =	shalt  }
0x53: {  	_ =	shalt  }
0x54: {  	_ =	shalt  }
0x55: {  	_ =	shalt  }
0x56: {  	_ =	shalt  }
0x57: {  	_ =	shalt  }
0x58: {  	_ =	shalt  }
0x59: {  	_ =	shalt  }
0x5a: {  	_ =	shalt  }
0x5b: {  	_ =	shalt  }
0x5c: {  	_ =	shalt  }
0x5d: {  	_ =	shalt  }
0x5e: {  	_ =	shalt  }
0x5f: {  	_ =	shalt  }
0x60: {  	_ =	shalt  }
0x61: {  	_ =	shalt  }
0x62: {  	_ =	shalt  }
0x63: {  	_ =	shalt  }
0x64: {  	_ =	shalt  }
0x65: {  	_ =	shalt  }
0x66: {  	_ =	shalt  }
0x67: {  	_ =	shalt  }
0x68: {  	_ =	shalt  }
0x69: {  	_ =	shalt  }
0x6a: {  	_ =	shalt  }
0x6b: {  	_ =	shalt  }
0x6c: {  	_ =	shalt  }
0x6d: {  	_ =	shalt  }
0x6e: {  	_ =	shalt  }
0x6f: {  	_ =	shalt  }
0x70: {  	_ =	shalt  }
0x71: {  	_ =	shalt  }
0x72: {  	_ =	shalt  }
0x73: {  	_ =	shalt  }
0x74: {  	_ =	shalt  }
0x75: {  	_ =	shalt  }
0x76: {  	_ =	shalt  }
0x77: {  	_ =	shalt  }
0x78: {  	_ =	shalt  }
0x79: {  	_ =	shalt  }
0x7a: {  	_ =	shalt  }
0x7b: {  	_ =	shalt  }
0x7c: {  	_ =	shalt  }
0x7d: {  	_ =	shalt  }
0x7e: {  	_ =	shalt  }
0x7f: {  	_ =	shalt  }
0x80: {  	_ =	shalt  }
0x81: {  	_ =	shalt  }
0x82: {  	_ =	shalt  }
0x83: {  	_ =	shalt  }
0x84: {  	_ =	shalt  }
0x85: {  	_ =	shalt  }
0x86: {  	_ =	shalt  }
0x87: {  	_ =	shalt  }
.Lfunc_end0:
.L_simem_size_0:
called_computation_lowered:
.L_overlay_start_0:
0x88: {  	s2 =	sld [smem:$0x3FD9]  }
0x89: {  	s3 =	sld [smem:$0x3FFE];
	_ =	sdelay $0x1  }
0x8a: {  	s1 =	srdreg.scid  }
0x8b: {  	s0 =	sand.u32 $0x1, s1  }
0x8c: {  	s14 =	sshll.u32 s0, $0xA;
	s2 =	sadd.s32 s3, s2  }
0x8d: {  	s2 =	sadd.s32 s2, s14  }
0x8e: {  	[smem:$0x3FC6] =	sst s2  }
0x8f: {  	_ = 	snop  }
0x90: {  	s2 =	sld [smem:$0x3FD0];
	_ =	sdelay $0x2  }
0x91: {  	s15 =	simm.s32 $0xA;
	s4 =	simm.s32 $0x10  }
0x92: {  	[smem:s4], [sflag:s15] =	dma.local [hbm:s2], $0x1  }
0x93: {  	_ =	swait.eq [sflag:s15], $0x1  }
0x94: {  	[sflag:s15] =	ssyncset.done $0x0  }
0x95: {  	s16 =	sld [smem:$0x10];
	[sflag:s15] =	ssyncadd.s32 $0xFFFFFFFF  }
0x96: {  	s17 =	sld [smem:$0x11];
	(tm) =	ssettm $0x1  }
0x97: {  	s18 =	sld [smem:$0x3FFB];
	_ =	sdelay $0x3  }
0x98: {  	_ =	strace s18  }
0x99: {  	s4 =	sld [smem:$0x3FFC];
	_ =	sdelay $0x3  }
0x9a: {  	_ =	strace s4  }
0x9b: {  	s4 =	sld [smem:$0x3FFD];
	_ =	sdelay $0x3  }
0x9c: {  	_ =	strace s4  }
0x9d: {  	_ =	strace $0x8FFFFFFF  }
0x9e: {  	s19 =	sld [smem:$0x3FDB];
	_ =	sdelay $0x1  }
0x9f: {  	s5 =	simm.s32 $_scs_section_size  }
0xa0: {  	s6 =	simm.s32 $_size__tile_overlayer_lowered;
	s7 =	simm.s32 $_tile_overlayer_lowered  }
0xa1: {  	s22 =	simm.s32 $0x1BFF;
	s21 =	sshll.u32 s7, $0x1;
	s4 =	sadd.s32 s5, s19  }
0xa2: {  	s8 =	simm.s32 $0x0;
	s20 =	sshll.u32 s6, $0x1;
	s6 =	sadd.s32 s21, s4  }
0xa3: {  	[timem:s8], [sflag:s22] =	dma.local [hbm:s6], s20  }
0xa4: {  	_ =	swait.ge [sflag:s22], s20  }
0xa5: {  	s5 =	ssub.s32 $0x0, s20;
	[sflag:s22] =	ssyncset.done $0x0  }
0xa6: {  	[sflag:s22] =	ssyncadd.s32 s5;
	_ =	sdelay $0x1  }
0xa7: {  	s23 =	simm.s32 $0x1B8B  }
0xa8: {  	_ =	swait.ge [sflag:s23], $0x1  }
0xa9: {  	[sflag:s23] =	ssyncset.done $0x0  }
0xaa: {  	s25 =	simm.s32 $0x1B8E;
	s24 =	sld [smem:$0x3FFE];
	[sflag:s23] =	ssyncadd.s32 $0xFFFFFFFF  }
0xab: {  	s26 =	simm.s32 $execute0_lowered;
	[smem:$0x3FD2] =	sst s25  }
0xac: {  	s6 =	sshll.u32 s26, $0x1;
	_ =	strace $0x80000046;
	[dreg:$0x1] =	wrdreg $0xFFFFFFFF  }
0xad: {  	s28 =	simm.s32 $_size_execute0_lowered;
	s4 =	sadd.s32 s4, s6;
	[dreg:$0x0] =	wrdreg $0x0  }
0xae: {  	s6 =	sshll.u32 s28, $0x1;
	[dreg:$0x2] =	wrdreg s4  }
0xaf: {  	[dreg:$0x3] =	wrdreg s6  }
0xb0: {  	[dreg:$0x4] =	wrdreg $0xC0  }
0xb1: {  	_ =	task [dreg:s8], $0x5FFFF  }
0xb2: {  	[dreg:$0x1] =	wrdreg $0xFFFFFFFF  }
0xb3: {  	[dreg:$0x0] =	wrdreg $0x60  }
0xb4: {  	[dreg:$0x2] =	wrdreg s16  }
0xb5: {  	[dreg:$0x3] =	wrdreg s17  }
0xb6: {  	[dreg:$0x4] =	wrdreg s24  }
0xb7: {  	[dreg:$0x5] =	wrdreg $0x9  }
0xb8: {  	_ =	task.clear_ibuf [dreg:s8], $0x6FFFF;
	_ =	strace $0x90000046  }
0xb9: {  	s29 =	simm.s32 $0x9;
	_ =	strace $0x80000048  }
0xba: {  	_ =	swait.ge [sflag:s29], $0x1  }
0xbb: {  	[sflag:s29] =	ssyncadd.s32 $0xFFFFFFFF  }
0xbc: {  	_ =	strace $0x90000048  }
0xbd: {  	_ =	sfence  }
0xbe: {  	s30 =	sld [smem:$0x0];
	_ =	sdelay $0x2  }
0xbf: {  	s31 =	sshll.u32 s1, $0xD;
	s1 =	sshrl.u32 s1, $0x2  }
0xc0: {  	s3 =	sand.u32 $0x4000, s31;
	s1 =	sadd.s32 s1, s30  }
0xc1: {  	s0 =	sor.u32 s3, s0;
	s1 =	sshll.u32 s1, $0x11  }
0xc2: {  	s0 =	sor.u32 s1, s0  }
0xc3: {  	s0 =	sadd.s32 $0x8F2B, s0  }
0xc4: {  	[sflag:s0] =	ssyncadd.remote.s32 $0x1  }
0xc5: {  	_ =	sfence.sel $0xFFFF  }
0xc6: {  	[dreg:$0x0] =	wrdreg $0xFFFFFFFF;
	(pc) =	sbr.abs _section_cstart, $3  }
0xc7: {  	[dreg:$0x1] =	wrdreg $0xFFFFFFFF  }
0xc8: {  	_ =	task.clear_ibuf [dreg:s8], $0x2FFFF;
	_ =	strace $0x9FFFFFFF  }
0xc9: {  	(tm) =	ssettm $0x7FFFFFFF  }
tec
execute0_lowered:
.L_overlay_start_1:
0x0: {  	(tag) =	ssettag $0x1  }
0x1: {  	s2 =	rddreg [dreg:$0x0]  }
0x2: {  	s1 =	srdreg.scid;
	s0 =	stileid.u32  }
0x3: {  	s4 =	rddreg [dreg:$0x1];
	s1 =	sand.u32 $0x1, s1;
	s6 =	sshll.u32 s0, $0x1  }
0x4: {  	s5 =	rddreg [dreg:$0x2];
	s6 =	sor.u32 s1, s6  }
0x5: {  	s3 =	simm.s32 $0x0;
	s7 =	sshll.u32 s6, $0x8;
	s6 =	sshll.u32 s6, $0xF  }
0x6: {  	[smem:$0x7FF] =	sst s3;
	s7 =	sadd.s32 s4, s7;
	s4 =	sadd.s32 s5, s6  }
0x7: {  	_ =	strace $0x80000047;
	[dreg:$0x4] =	wrdreg s7;
	s5 =	sadd.s32 $0x800, s4  }
0x8: {  	s17 =	sadd.s32 $0x1000, s4;
	[dreg:$0x5] =	wrdreg s5  }
0x9: {  	s18 =	sadd.s32 $0x1800, s4;
	[dreg:$0x6] =	wrdreg s17  }
0xa: {  	s19 =	sadd.s32 $0x2000, s4;
	[dreg:$0x7] =	wrdreg s18  }
0xb: {  	s20 =	sadd.s32 $0x2800, s4;
	[dreg:$0x8] =	wrdreg s19  }
0xc: {  	s21 =	sadd.s32 $0x3000, s4;
	[dreg:$0x9] =	wrdreg s20  }
0xd: {  	s22 =	sadd.s32 $0x3800, s4;
	[dreg:$0xa] =	wrdreg s21  }
0xe: {  	s23 =	sadd.s32 $0x4000, s4;
	[dreg:$0xb] =	wrdreg s22  }
0xf: {  	[dreg:$0xc] =	wrdreg s23  }
0x10: {  	s24 =	sadd.s32 $0x4800, s4;
	s25 =	rddreg [dreg:$0x4]  }
0x11: {  	s26 =	sadd.s32 $0x5000, s4;
	[dreg:$0xd] =	wrdreg s24  }
0x12: {  	[dreg:$0xe] =	wrdreg s26;
	s5 =	simm.s32 $0x4  }
0x13: {  	[tilespmem:s3], [sflag:$0x4] =	stream.linear.gather [hbm4b:s25+s3], $0x800, $0x38;
	[tilespmem:$0x8800] =	vst v63  }
0x14: {  	_ =	swait.ge [sflag:s5], $0x800  }
0x15: {  	s8 =	simm.s32 $0x1;
	[sflag:s5] =	ssyncset.done $0x0  }
0x16: {  	s6 =	simm.s32 $0x80;
	s7 =	simm.s32 $0x800;
	[sflag:s5] =	ssyncadd.s32 $0xFFFFF800  }
0x17: {  	[tilespmem:s7], [sflag:$0x1] =	stream.indirect.gather [hbm4b:s2+s6], $0x80, s3, s6, $0xb8;
	[tilespmem:$0x8800] =	vst v63  }
0x18: {  	_ =	swait.ge [sflag:s8], $0x4000  }
0x19: {  	[sflag:s8] =	ssyncset.done $0x0  }
0x1a: {  	[sflag:s8] =	ssyncadd.s32 $0xFFFFC000  }
0x1b: {  	[hbm4b:s4+s3] =	stream.linear.scatter [tilespmem:s7], [sflag:$0x2], $0x4000, $0x38;
	[tilespmem:$0x8800] =	vst v63  }
0x1c: {  	s9 =	simm.s32 $0x4800  }
0x1d: {  	[tilespmem:s9], [sflag:$0x1] =	stream.indirect.gather [hbm4b:s2+s6], $0x80, s6, s6, $0xb8;
	[tilespmem:$0x8800] =	vst v63  }
0x1e: {  	_ =	swait.ge [sflag:s8], $0x4000  }
0x1f: {  	[sflag:s8] =	ssyncset.done $0x0  }
0x20: {  	s10 =	simm.s32 $0x2;
	s11 =	rddreg [dreg:$0x5];
	[sflag:s8] =	ssyncadd.s32 $0xFFFFC000  }
0x21: {  	[hbm4b:s11+s3] =	stream.linear.scatter [tilespmem:s9], [sflag:$0x3], $0x4000, $0x38;
	[tilespmem:$0x8800] =	vst v63  }
0x22: {  	_ =	swait.ge [sflag:s10], $0x4000  }
0x23: {  	[sflag:s10] =	ssyncset.done $0x0  }
0x24: {  	s11 =	simm.s32 $0x100;
	[sflag:s10] =	ssyncadd.s32 $0xFFFFC000  }
0x25: {  	[tilespmem:s7], [sflag:$0x1] =	stream.indirect.gather [hbm4b:s2+s6], $0x80, s11, s6, $0xb8;
	[tilespmem:$0x8800] =	vst v63  }
0x26: {  	_ =	swait.ge [sflag:s8], $0x4000  }
0x27: {  	[sflag:s8] =	ssyncset.done $0x0  }
0x28: {  	s12 =	simm.s32 $0x3;
	s13 =	rddreg [dreg:$0x6];
	[sflag:s8] =	ssyncadd.s32 $0xFFFFC000  }
0x29: {  	[hbm4b:s13+s3] =	stream.linear.scatter [tilespmem:s7], [sflag:$0x2], $0x4000, $0x38;
	[tilespmem:$0x8800] =	vst v63  }
0x2a: {  	_ =	swait.ge [sflag:s12], $0x4000  }
0x2b: {  	[sflag:s12] =	ssyncset.done $0x0  }
0x2c: {  	s13 =	simm.s32 $0x180;
	[sflag:s12] =	ssyncadd.s32 $0xFFFFC000  }
0x2d: {  	[tilespmem:s9], [sflag:$0x1] =	stream.indirect.gather [hbm4b:s2+s6], $0x80, s13, s6, $0xb8;
	[tilespmem:$0x8800] =	vst v63  }
0x2e: {  	_ =	swait.ge [sflag:s8], $0x4000  }
0x2f: {  	[sflag:s8] =	ssyncset.done $0x0  }
0x30: {  	s14 =	rddreg [dreg:$0x7];
	[sflag:s8] =	ssyncadd.s32 $0xFFFFC000  }
0x31: {  	[hbm4b:s14+s3] =	stream.linear.scatter [tilespmem:s9], [sflag:$0x3], $0x4000, $0x38;
	[tilespmem:$0x8800] =	vst v63  }
0x32: {  	_ =	swait.ge [sflag:s10], $0x4000  }
0x33: {  	[sflag:s10] =	ssyncset.done $0x0  }
0x34: {  	s14 =	simm.s32 $0x200;
	[sflag:s10] =	ssyncadd.s32 $0xFFFFC000  }
0x35: {  	[tilespmem:s7], [sflag:$0x1] =	stream.indirect.gather [hbm4b:s2+s6], $0x80, s14, s6, $0xb8;
	[tilespmem:$0x8800] =	vst v63  }
0x36: {  	_ =	swait.ge [sflag:s8], $0x4000  }
0x37: {  	[sflag:s8] =	ssyncset.done $0x0  }
0x38: {  	s15 =	rddreg [dreg:$0x8];
	[sflag:s8] =	ssyncadd.s32 $0xFFFFC000  }
0x39: {  	[hbm4b:s15+s3] =	stream.linear.scatter [tilespmem:s7], [sflag:$0x2], $0x4000, $0x38;
	[tilespmem:$0x8800] =	vst v63  }
0x3a: {  	_ =	swait.ge [sflag:s12], $0x4000  }
0x3b: {  	[sflag:s12] =	ssyncset.done $0x0  }
0x3c: {  	s15 =	simm.s32 $0x280;
	[sflag:s12] =	ssyncadd.s32 $0xFFFFC000  }
0x3d: {  	[tilespmem:s9], [sflag:$0x1] =	stream.indirect.gather [hbm4b:s2+s6], $0x80, s15, s6, $0xb8;
	[tilespmem:$0x8800] =	vst v63  }
0x3e: {  	_ =	swait.ge [sflag:s8], $0x4000  }
0x3f: {  	[sflag:s8] =	ssyncset.done $0x0  }
0x40: {  	s16 =	rddreg [dreg:$0x9];
	[sflag:s8] =	ssyncadd.s32 $0xFFFFC000  }
0x41: {  	[hbm4b:s16+s3] =	stream.linear.scatter [tilespmem:s9], [sflag:$0x3], $0x4000, $0x38;
	[tilespmem:$0x8800] =	vst v63  }
0x42: {  	_ =	swait.ge [sflag:s10], $0x4000  }
0x43: {  	[sflag:s10] =	ssyncset.done $0x0  }
0x44: {  	s16 =	simm.s32 $0x300;
	[sflag:s10] =	ssyncadd.s32 $0xFFFFC000  }
0x45: {  	[tilespmem:s7], [sflag:$0x1] =	stream.indirect.gather [hbm4b:s2+s6], $0x80, s16, s6, $0xb8;
	[tilespmem:$0x8800] =	vst v63  }
0x46: {  	_ =	swait.ge [sflag:s8], $0x4000  }
0x47: {  	[sflag:s8] =	ssyncset.done $0x0  }
0x48: {  	s17 =	rddreg [dreg:$0xa];
	[sflag:s8] =	ssyncadd.s32 $0xFFFFC000  }
0x49: {  	[hbm4b:s17+s3] =	stream.linear.scatter [tilespmem:s7], [sflag:$0x2], $0x4000, $0x38;
	[tilespmem:$0x8800] =	vst v63  }
0x4a: {  	_ =	swait.ge [sflag:s12], $0x4000  }
0x4b: {  	[sflag:s12] =	ssyncset.done $0x0  }
0x4c: {  	s17 =	simm.s32 $0x380;
	[sflag:s12] =	ssyncadd.s32 $0xFFFFC000  }
0x4d: {  	[tilespmem:s9], [sflag:$0x1] =	stream.indirect.gather [hbm4b:s2+s6], $0x80, s17, s6, $0xb8;
	[tilespmem:$0x8800] =	vst v63  }
0x4e: {  	_ =	swait.ge [sflag:s8], $0x4000  }
0x4f: {  	[sflag:s8] =	ssyncset.done $0x0  }
0x50: {  	s18 =	rddreg [dreg:$0xb];
	[sflag:s8] =	ssyncadd.s32 $0xFFFFC000  }
0x51: {  	[hbm4b:s18+s3] =	stream.linear.scatter [tilespmem:s9], [sflag:$0x3], $0x4000, $0x38;
	[tilespmem:$0x8800] =	vst v63  }
0x52: {  	_ =	swait.ge [sflag:s10], $0x4000  }
0x53: {  	[sflag:s10] =	ssyncset.done $0x0  }
0x54: {  	s18 =	simm.s32 $0x400;
	[sflag:s10] =	ssyncadd.s32 $0xFFFFC000  }
0x55: {  	[tilespmem:s7], [sflag:$0x1] =	stream.indirect.gather [hbm4b:s2+s6], $0x80, s18, s6, $0xb8;
	[tilespmem:$0x8800] =	vst v63  }
0x56: {  	_ =	swait.ge [sflag:s8], $0x4000  }
0x57: {  	[sflag:s8] =	ssyncset.done $0x0  }
0x58: {  	s19 =	rddreg [dreg:$0xc];
	[sflag:s8] =	ssyncadd.s32 $0xFFFFC000  }
0x59: {  	[hbm4b:s19+s3] =	stream.linear.scatter [tilespmem:s7], [sflag:$0x2], $0x4000, $0x38;
	[tilespmem:$0x8800] =	vst v63  }
0x5a: {  	_ =	swait.ge [sflag:s12], $0x4000  }
0x5b: {  	[sflag:s12] =	ssyncset.done $0x0  }
0x5c: {  	s19 =	simm.s32 $0x480;
	[sflag:s12] =	ssyncadd.s32 $0xFFFFC000  }
0x5d: {  	[tilespmem:s9], [sflag:$0x1] =	stream.indirect.gather [hbm4b:s2+s6], $0x80, s19, s6, $0xb8;
	[tilespmem:$0x8800] =	vst v63  }
0x5e: {  	_ =	swait.ge [sflag:s8], $0x4000  }
0x5f: {  	[sflag:s8] =	ssyncset.done $0x0  }
0x60: {  	s20 =	rddreg [dreg:$0xd];
	[sflag:s8] =	ssyncadd.s32 $0xFFFFC000  }
0x61: {  	[hbm4b:s20+s3] =	stream.linear.scatter [tilespmem:s9], [sflag:$0x3], $0x4000, $0x38;
	[tilespmem:$0x8800] =	vst v63  }
0x62: {  	_ =	swait.ge [sflag:s10], $0x4000  }
0x63: {  	[sflag:s10] =	ssyncset.done $0x0  }
0x64: {  	s20 =	simm.s32 $0x500;
	[sflag:s10] =	ssyncadd.s32 $0xFFFFC000  }
0x65: {  	[tilespmem:s7], [sflag:$0x1] =	stream.indirect.gather [hbm4b:s2+s6], $0x80, s20, s6, $0xb8;
	[tilespmem:$0x8800] =	vst v63  }
0x66: {  	_ =	swait.ge [sflag:s8], $0x4000  }
0x67: {  	[sflag:s8] =	ssyncset.done $0x0  }
0x68: {  	s21 =	rddreg [dreg:$0xe];
	[sflag:s8] =	ssyncadd.s32 $0xFFFFC000  }
0x69: {  	[hbm4b:s21+s3] =	stream.linear.scatter [tilespmem:s7], [sflag:$0x2], $0x4000, $0x38;
	[tilespmem:$0x8800] =	vst v63  }
0x6a: {  	_ =	swait.ge [sflag:s12], $0x4000  }
0x6b: {  	[sflag:s12] =	ssyncset.done $0x0  }
0x6c: {  	s21 =	simm.s32 $0x580;
	[sflag:s12] =	ssyncadd.s32 $0xFFFFC000  }
0x6d: {  	[tilespmem:s9], [sflag:$0x1] =	stream.indirect.gather [hbm4b:s2+s6], $0x80, s21, s6, $0xb8;
	[tilespmem:$0x8800] =	vst v63  }
0x6e: {  	_ =	swait.ge [sflag:s8], $0x4000  }
0x6f: {  	[sflag:s8] =	ssyncset.done $0x0  }
0x70: {  	s22 =	sadd.s32 $0x5800, s4;
	[sflag:s8] =	ssyncadd.s32 $0xFFFFC000  }
0x71: {  	[hbm4b:s22+s3] =	stream.linear.scatter [tilespmem:s9], [sflag:$0x3], $0x4000, $0x38;
	[tilespmem:$0x8800] =	vst v63  }
0x72: {  	_ =	swait.ge [sflag:s10], $0x4000  }
0x73: {  	[sflag:s10] =	ssyncset.done $0x0  }
0x74: {  	s23 =	simm.s32 $0x600;
	[sflag:s10] =	ssyncadd.s32 $0xFFFFC000  }
0x75: {  	[tilespmem:s7], [sflag:$0x1] =	stream.indirect.gather [hbm4b:s2+s6], $0x80, s23, s6, $0xb8;
	[tilespmem:$0x8800] =	vst v63  }
0x76: {  	_ =	swait.ge [sflag:s8], $0x4000  }
0x77: {  	[sflag:s8] =	ssyncset.done $0x0  }
0x78: {  	s24 =	sadd.s32 $0x6000, s4;
	[sflag:s8] =	ssyncadd.s32 $0xFFFFC000  }
0x79: {  	[hbm4b:s24+s3] =	stream.linear.scatter [tilespmem:s7], [sflag:$0x2], $0x4000, $0x38;
	[tilespmem:$0x8800] =	vst v63  }
0x7a: {  	_ =	swait.ge [sflag:s12], $0x4000  }
0x7b: {  	[sflag:s12] =	ssyncset.done $0x0  }
0x7c: {  	s25 =	simm.s32 $0x680;
	[sflag:s12] =	ssyncadd.s32 $0xFFFFC000  }
0x7d: {  	[tilespmem:s9], [sflag:$0x1] =	stream.indirect.gather [hbm4b:s2+s6], $0x80, s25, s6, $0xb8;
	[tilespmem:$0x8800] =	vst v63  }
0x7e: {  	_ =	swait.ge [sflag:s8], $0x4000  }
0x7f: {  	[sflag:s8] =	ssyncset.done $0x0  }
0x80: {  	s26 =	sadd.s32 $0x6800, s4;
	[sflag:s8] =	ssyncadd.s32 $0xFFFFC000  }
0x81: {  	[hbm4b:s26+s3] =	stream.linear.scatter [tilespmem:s9], [sflag:$0x3], $0x4000, $0x38;
	[tilespmem:$0x8800] =	vst v63  }
0x82: {  	_ =	swait.ge [sflag:s10], $0x4000  }
0x83: {  	[sflag:s10] =	ssyncset.done $0x0  }
0x84: {  	s28 =	simm.s32 $0x700;
	[sflag:s10] =	ssyncadd.s32 $0xFFFFC000  }
0x85: {  	[tilespmem:s7], [sflag:$0x1] =	stream.indirect.gather [hbm4b:s2+s6], $0x80, s28, s6, $0xb8;
	[tilespmem:$0x8800] =	vst v63  }
0x86: {  	_ =	swait.ge [sflag:s8], $0x4000  }
0x87: {  	[sflag:s8] =	ssyncset.done $0x0  }
0x88: {  	s29 =	sadd.s32 $0x7000, s4;
	[sflag:s8] =	ssyncadd.s32 $0xFFFFC000  }
0x89: {  	[hbm4b:s29+s3] =	stream.linear.scatter [tilespmem:s7], [sflag:$0x2], $0x4000, $0x38;
	[tilespmem:$0x8800] =	vst v63  }
0x8a: {  	_ =	swait.ge [sflag:s12], $0x4000  }
0x8b: {  	s1 =	ssub.s32 $0x2, s1;
	[sflag:s12] =	ssyncset.done $0x0  }
0x8c: {  	s30 =	simm.s32 $0x780;
	s0 =	sshrl.u32 s1, $0x1;
	[sflag:s12] =	ssyncadd.s32 $0xFFFFC000  }
0x8d: {  	[tilespmem:s9], [sflag:$0x1] =	stream.indirect.gather [hbm4b:s2+s6], $0x80, s30, s6, $0xb8;
	[tilespmem:$0x8800] =	vst v63  }
0x8e: {  	s0 =	ssub.s32 s1, s0;
	_ =	swait.ge [sflag:s8], $0x4000  }
0x8f: {  	s0 =	smax.u32 s0, $0x1;
	[sflag:s8] =	ssyncset.done $0x0  }
0x90: {  	s31 =	sadd.s32 $0x7800, s4;
	p0 =	sne.s32 s0, $0x1;
	[sflag:s8] =	ssyncadd.s32 $0xFFFFC000  }
0x91: {  	[hbm4b:s31+s3] =	stream.linear.scatter [tilespmem:s9], [sflag:$0x3], $0x4000, $0x38;
	[tilespmem:$0x8800] =	vst v63  }
.Ltmp0:
0x92: {  	_ =	swait.ge [sflag:s10], $0x4000;
	(pc) =	sbr.rel @!p0 .LBB2_2-.Ltmp0, $4  }
0x93: {  	[sflag:s10] =	ssyncset.done $0x0  }
0x94: {  	[sflag:s10] =	ssyncadd.s32 $0xFFFFC000  }
0x95: {  	_ =	swait.ge [sflag:s12], $0x4000  }
0x96: {  	s1 =	sadd.s32 $0xFFFFFFFF, s0;
	[sflag:s12] =	ssyncset.done $0x0  }
.LBB2_1:
0x97: {  	s0 =	rddreg [dreg:$0x4];
	[sflag:s12] =	ssyncadd.s32 $0xFFFFC000  }
0x98: {  	[tilespmem:s3], [sflag:$0x4] =	stream.linear.gather [hbm4b:s0+s3], $0x800, $0x38;
	[tilespmem:$0x8800] =	vst v63  }
0x99: {  	_ =	swait.ge [sflag:s5], $0x800  }
0x9a: {  	[sflag:s5] =	ssyncset.done $0x0  }
0x9b: {  	[sflag:s5] =	ssyncadd.s32 $0xFFFFF800  }
0x9c: {  	[tilespmem:s7], [sflag:$0x1] =	stream.indirect.gather [hbm4b:s2+s6], $0x80, s3, s6, $0xb8;
	[tilespmem:$0x8800] =	vst v63  }
0x9d: {  	_ =	swait.ge [sflag:s8], $0x4000  }
0x9e: {  	[sflag:s8] =	ssyncset.done $0x0  }
0x9f: {  	[sflag:s8] =	ssyncadd.s32 $0xFFFFC000  }
0xa0: {  	[hbm4b:s4+s3] =	stream.linear.scatter [tilespmem:s7], [sflag:$0x2], $0x4000, $0x38;
	[tilespmem:$0x8800] =	vst v63  }
0xa1: {  	_ = 	snop  }
0xa2: {  	[tilespmem:s9], [sflag:$0x1] =	stream.indirect.gather [hbm4b:s2+s6], $0x80, s6, s6, $0xb8;
	[tilespmem:$0x8800] =	vst v63  }
0xa3: {  	_ =	swait.ge [sflag:s8], $0x4000  }
0xa4: {  	[sflag:s8] =	ssyncset.done $0x0  }
0xa5: {  	s0 =	rddreg [dreg:$0x5];
	[sflag:s8] =	ssyncadd.s32 $0xFFFFC000  }
0xa6: {  	[hbm4b:s0+s3] =	stream.linear.scatter [tilespmem:s9], [sflag:$0x3], $0x4000, $0x38;
	[tilespmem:$0x8800] =	vst v63  }
0xa7: {  	_ =	swait.ge [sflag:s10], $0x4000  }
0xa8: {  	[sflag:s10] =	ssyncset.done $0x0  }
0xa9: {  	[sflag:s10] =	ssyncadd.s32 $0xFFFFC000  }
0xaa: {  	[tilespmem:s7], [sflag:$0x1] =	stream.indirect.gather [hbm4b:s2+s6], $0x80, s11, s6, $0xb8;
	[tilespmem:$0x8800] =	vst v63  }
0xab: {  	_ =	swait.ge [sflag:s8], $0x4000  }
0xac: {  	[sflag:s8] =	ssyncset.done $0x0  }
0xad: {  	s0 =	rddreg [dreg:$0x6];
	[sflag:s8] =	ssyncadd.s32 $0xFFFFC000  }
0xae: {  	[hbm4b:s0+s3] =	stream.linear.scatter [tilespmem:s7], [sflag:$0x2], $0x4000, $0x38;
	[tilespmem:$0x8800] =	vst v63  }
0xaf: {  	_ =	swait.ge [sflag:s12], $0x4000  }
0xb0: {  	[sflag:s12] =	ssyncset.done $0x0  }
0xb1: {  	[sflag:s12] =	ssyncadd.s32 $0xFFFFC000  }
0xb2: {  	[tilespmem:s9], [sflag:$0x1] =	stream.indirect.gather [hbm4b:s2+s6], $0x80, s13, s6, $0xb8;
	[tilespmem:$0x8800] =	vst v63  }
0xb3: {  	_ =	swait.ge [sflag:s8], $0x4000  }
0xb4: {  	[sflag:s8] =	ssyncset.done $0x0  }
0xb5: {  	s0 =	rddreg [dreg:$0x7];
	[sflag:s8] =	ssyncadd.s32 $0xFFFFC000  }
0xb6: {  	[hbm4b:s0+s3] =	stream.linear.scatter [tilespmem:s9], [sflag:$0x3], $0x4000, $0x38;
	[tilespmem:$0x8800] =	vst v63  }
0xb7: {  	_ =	swait.ge [sflag:s10], $0x4000  }
0xb8: {  	[sflag:s10] =	ssyncset.done $0x0  }
0xb9: {  	[sflag:s10] =	ssyncadd.s32 $0xFFFFC000  }
0xba: {  	[tilespmem:s7], [sflag:$0x1] =	stream.indirect.gather [hbm4b:s2+s6], $0x80, s14, s6, $0xb8;
	[tilespmem:$0x8800] =	vst v63  }
0xbb: {  	_ =	swait.ge [sflag:s8], $0x4000  }
0xbc: {  	[sflag:s8] =	ssyncset.done $0x0  }
0xbd: {  	s0 =	rddreg [dreg:$0x8];
	[sflag:s8] =	ssyncadd.s32 $0xFFFFC000  }
0xbe: {  	[hbm4b:s0+s3] =	stream.linear.scatter [tilespmem:s7], [sflag:$0x2], $0x4000, $0x38;
	[tilespmem:$0x8800] =	vst v63  }
0xbf: {  	_ =	swait.ge [sflag:s12], $0x4000  }
0xc0: {  	[sflag:s12] =	ssyncset.done $0x0  }
0xc1: {  	[sflag:s12] =	ssyncadd.s32 $0xFFFFC000  }
0xc2: {  	[tilespmem:s9], [sflag:$0x1] =	stream.indirect.gather [hbm4b:s2+s6], $0x80, s15, s6, $0xb8;
	[tilespmem:$0x8800] =	vst v63  }
0xc3: {  	_ =	swait.ge [sflag:s8], $0x4000  }
0xc4: {  	[sflag:s8] =	ssyncset.done $0x0  }
0xc5: {  	s0 =	rddreg [dreg:$0x9];
	[sflag:s8] =	ssyncadd.s32 $0xFFFFC000  }
0xc6: {  	[hbm4b:s0+s3] =	stream.linear.scatter [tilespmem:s9], [sflag:$0x3], $0x4000, $0x38;
	[tilespmem:$0x8800] =	vst v63  }
0xc7: {  	_ =	swait.ge [sflag:s10], $0x4000  }
0xc8: {  	[sflag:s10] =	ssyncset.done $0x0  }
0xc9: {  	[sflag:s10] =	ssyncadd.s32 $0xFFFFC000  }
0xca: {  	[tilespmem:s7], [sflag:$0x1] =	stream.indirect.gather [hbm4b:s2+s6], $0x80, s16, s6, $0xb8;
	[tilespmem:$0x8800] =	vst v63  }
0xcb: {  	_ =	swait.ge [sflag:s8], $0x4000  }
0xcc: {  	[sflag:s8] =	ssyncset.done $0x0  }
0xcd: {  	s0 =	rddreg [dreg:$0xa];
	[sflag:s8] =	ssyncadd.s32 $0xFFFFC000  }
0xce: {  	[hbm4b:s0+s3] =	stream.linear.scatter [tilespmem:s7], [sflag:$0x2], $0x4000, $0x38;
	[tilespmem:$0x8800] =	vst v63  }
0xcf: {  	_ =	swait.ge [sflag:s12], $0x4000  }
0xd0: {  	[sflag:s12] =	ssyncset.done $0x0  }
0xd1: {  	[sflag:s12] =	ssyncadd.s32 $0xFFFFC000  }
0xd2: {  	[tilespmem:s9], [sflag:$0x1] =	stream.indirect.gather [hbm4b:s2+s6], $0x80, s17, s6, $0xb8;
	[tilespmem:$0x8800] =	vst v63  }
0xd3: {  	_ =	swait.ge [sflag:s8], $0x4000  }
0xd4: {  	[sflag:s8] =	ssyncset.done $0x0  }
0xd5: {  	s0 =	rddreg [dreg:$0xb];
	[sflag:s8] =	ssyncadd.s32 $0xFFFFC000  }
0xd6: {  	[hbm4b:s0+s3] =	stream.linear.scatter [tilespmem:s9], [sflag:$0x3], $0x4000, $0x38;
	[tilespmem:$0x8800] =	vst v63  }
0xd7: {  	_ =	swait.ge [sflag:s10], $0x4000  }
0xd8: {  	[sflag:s10] =	ssyncset.done $0x0  }
0xd9: {  	[sflag:s10] =	ssyncadd.s32 $0xFFFFC000  }
0xda: {  	[tilespmem:s7], [sflag:$0x1] =	stream.indirect.gather [hbm4b:s2+s6], $0x80, s18, s6, $0xb8;
	[tilespmem:$0x8800] =	vst v63  }
0xdb: {  	_ =	swait.ge [sflag:s8], $0x4000  }
0xdc: {  	[sflag:s8] =	ssyncset.done $0x0  }
0xdd: {  	s0 =	rddreg [dreg:$0xc];
	[sflag:s8] =	ssyncadd.s32 $0xFFFFC000  }
0xde: {  	[hbm4b:s0+s3] =	stream.linear.scatter [tilespmem:s7], [sflag:$0x2], $0x4000, $0x38;
	[tilespmem:$0x8800] =	vst v63  }
0xdf: {  	_ =	swait.ge [sflag:s12], $0x4000  }
0xe0: {  	[sflag:s12] =	ssyncset.done $0x0  }
0xe1: {  	[sflag:s12] =	ssyncadd.s32 $0xFFFFC000  }
0xe2: {  	[tilespmem:s9], [sflag:$0x1] =	stream.indirect.gather [hbm4b:s2+s6], $0x80, s19, s6, $0xb8;
	[tilespmem:$0x8800] =	vst v63  }
0xe3: {  	_ =	swait.ge [sflag:s8], $0x4000  }
0xe4: {  	[sflag:s8] =	ssyncset.done $0x0  }
0xe5: {  	s0 =	rddreg [dreg:$0xd];
	[sflag:s8] =	ssyncadd.s32 $0xFFFFC000  }
0xe6: {  	[hbm4b:s0+s3] =	stream.linear.scatter [tilespmem:s9], [sflag:$0x3], $0x4000, $0x38;
	[tilespmem:$0x8800] =	vst v63  }
0xe7: {  	_ =	swait.ge [sflag:s10], $0x4000  }
0xe8: {  	[sflag:s10] =	ssyncset.done $0x0  }
0xe9: {  	[sflag:s10] =	ssyncadd.s32 $0xFFFFC000  }
0xea: {  	[tilespmem:s7], [sflag:$0x1] =	stream.indirect.gather [hbm4b:s2+s6], $0x80, s20, s6, $0xb8;
	[tilespmem:$0x8800] =	vst v63  }
0xeb: {  	_ =	swait.ge [sflag:s8], $0x4000  }
0xec: {  	[sflag:s8] =	ssyncset.done $0x0  }
0xed: {  	s0 =	rddreg [dreg:$0xe];
	[sflag:s8] =	ssyncadd.s32 $0xFFFFC000  }
0xee: {  	[hbm4b:s0+s3] =	stream.linear.scatter [tilespmem:s7], [sflag:$0x2], $0x4000, $0x38;
	[tilespmem:$0x8800] =	vst v63  }
0xef: {  	_ =	swait.ge [sflag:s12], $0x4000  }
0xf0: {  	[sflag:s12] =	ssyncset.done $0x0  }
0xf1: {  	[sflag:s12] =	ssyncadd.s32 $0xFFFFC000  }
0xf2: {  	[tilespmem:s9], [sflag:$0x1] =	stream.indirect.gather [hbm4b:s2+s6], $0x80, s21, s6, $0xb8;
	[tilespmem:$0x8800] =	vst v63  }
0xf3: {  	_ =	swait.ge [sflag:s8], $0x4000  }
0xf4: {  	[sflag:s8] =	ssyncset.done $0x0  }
0xf5: {  	[sflag:s8] =	ssyncadd.s32 $0xFFFFC000  }
0xf6: {  	[hbm4b:s22+s3] =	stream.linear.scatter [tilespmem:s9], [sflag:$0x3], $0x4000, $0x38;
	[tilespmem:$0x8800] =	vst v63  }
0xf7: {  	_ =	swait.ge [sflag:s10], $0x4000  }
0xf8: {  	[sflag:s10] =	ssyncset.done $0x0  }
0xf9: {  	[sflag:s10] =	ssyncadd.s32 $0xFFFFC000  }
0xfa: {  	[tilespmem:s7], [sflag:$0x1] =	stream.indirect.gather [hbm4b:s2+s6], $0x80, s23, s6, $0xb8;
	[tilespmem:$0x8800] =	vst v63  }
0xfb: {  	_ =	swait.ge [sflag:s8], $0x4000  }
0xfc: {  	[sflag:s8] =	ssyncset.done $0x0  }
0xfd: {  	[sflag:s8] =	ssyncadd.s32 $0xFFFFC000  }
0xfe: {  	[hbm4b:s24+s3] =	stream.linear.scatter [tilespmem:s7], [sflag:$0x2], $0x4000, $0x38;
	[tilespmem:$0x8800] =	vst v63  }
0xff: {  	_ =	swait.ge [sflag:s12], $0x4000  }
0x100: {  	[sflag:s12] =	ssyncset.done $0x0  }
0x101: {  	[sflag:s12] =	ssyncadd.s32 $0xFFFFC000  }
0x102: {  	[tilespmem:s9], [sflag:$0x1] =	stream.indirect.gather [hbm4b:s2+s6], $0x80, s25, s6, $0xb8;
	[tilespmem:$0x8800] =	vst v63  }
0x103: {  	_ =	swait.ge [sflag:s8], $0x4000  }
0x104: {  	[sflag:s8] =	ssyncset.done $0x0  }
0x105: {  	[sflag:s8] =	ssyncadd.s32 $0xFFFFC000  }
0x106: {  	[hbm4b:s26+s3] =	stream.linear.scatter [tilespmem:s9], [sflag:$0x3], $0x4000, $0x38;
	[tilespmem:$0x8800] =	vst v63  }
0x107: {  	_ =	swait.ge [sflag:s10], $0x4000  }
0x108: {  	[sflag:s10] =	ssyncset.done $0x0  }
0x109: {  	[sflag:s10] =	ssyncadd.s32 $0xFFFFC000  }
0x10a: {  	[tilespmem:s7], [sflag:$0x1] =	stream.indirect.gather [hbm4b:s2+s6], $0x80, s28, s6, $0xb8;
	[tilespmem:$0x8800] =	vst v63  }
0x10b: {  	_ =	swait.ge [sflag:s8], $0x4000  }
0x10c: {  	[sflag:s8] =	ssyncset.done $0x0  }
0x10d: {  	[sflag:s8] =	ssyncadd.s32 $0xFFFFC000  }
0x10e: {  	[hbm4b:s29+s3] =	stream.linear.scatter [tilespmem:s7], [sflag:$0x2], $0x4000, $0x38;
	[tilespmem:$0x8800] =	vst v63  }
0x10f: {  	_ =	swait.ge [sflag:s12], $0x4000  }
0x110: {  	[sflag:s12] =	ssyncset.done $0x0  }
0x111: {  	[sflag:s12] =	ssyncadd.s32 $0xFFFFC000  }
0x112: {  	[tilespmem:s9], [sflag:$0x1] =	stream.indirect.gather [hbm4b:s2+s6], $0x80, s30, s6, $0xb8;
	[tilespmem:$0x8800] =	vst v63  }
0x113: {  	_ =	swait.ge [sflag:s8], $0x4000  }
0x114: {  	[sflag:s8] =	ssyncset.done $0x0  }
0x115: {  	p0 =	sne.s32 s1, $0x1;
	[sflag:s8] =	ssyncadd.s32 $0xFFFFC000  }
0x116: {  	[hbm4b:s31+s3] =	stream.linear.scatter [tilespmem:s9], [sflag:$0x3], $0x4000, $0x38;
	[tilespmem:$0x8800] =	vst v63  }
.Ltmp1:
0x117: {  	_ =	swait.ge [sflag:s10], $0x4000;
	(pc) =	sbr.rel @p0 .LBB2_1-.Ltmp1, $4  }
0x118: {  	[sflag:s10] =	ssyncset.done $0x0  }
0x119: {  	[sflag:s10] =	ssyncadd.s32 $0xFFFFC000  }
0x11a: {  	_ =	swait.ge [sflag:s12], $0x4000  }
0x11b: {  	s1 =	sadd.s32 $0xFFFFFFFF, s1;
	[sflag:s12] =	ssyncset.done $0x0  }
.LBB2_2:
0x11c: {  	[sflag:s12] =	ssyncadd.s32 $0xFFFFC000  }
0x11d: {  	_ =	sfence.sel $0x180000  }
0x11e: {  	[bflag:$0x0] =	sbarrier.arrive $0xFFFF  }
0x11f: {  	_ =	strace $0x90000047  }
0x120: {  	s0 =	stileid.u32;
	[bflag:$0x2] =	sbarrier.arrive $0xFFFF  }
0x121: {  	p0 =	sne.s32 s0, $0x0;
	s0 =	rddreg [dreg:$0x3]  }
0x122: {  	s0 =	sadd.s32 @!p0 $0x100000, s0  }
0x123: {  	[sflag:s0] =	ssyncadd.tile.s32 @!p0 $0x1;
	_ =	shalt  }
.Lfunc_end2:
_tile_overlayer_lowered:
.L_overlay_start_2:
0x124: {  	(tag) =	ssettag $0x2  }
0x125: {  	s0 =	rddreg [dreg:$0x0];
	s2 =	stileid.u32  }
0x126: {  	s1 =	rddreg [dreg:$0x1];
	p0 =	sne.s32 s2, $0x0  }
0x127: {  	s3 =	rddreg [dreg:$0x2];
	[bflag:$0x3] =	sbarrier.arrive $0xFFFF;
	s2 =	simm.s32 @!p0 $0x1C04  }
0x128: {  	[timem:s3], [sflag:s2] =	dma.local @!p0 [hbm:s0], s1  }
0x129: {  	s0 =	simm.s32 @!p0 $0x4  }
0x12a: {  	_ =	swait.ge @!p0 [sflag:s0], s1  }
0x12b: {  	s1 =	ssub.s32 @!p0 $0x0, s1;
	[sflag:s0] =	ssyncset.done @!p0 $0x0  }
0x12c: {  	[sflag:s0] =	ssyncadd.s32 @!p0 s1  }
0x12d: {  	[bflag:$0x3] =	sbarrier.arrive $0xFFFF  }
0x12e: {  	_ =	shalt  }

</sc_bundles>
